<compile_context>
chip_gen: v7x
topology: tpu7x:2x2x1
jax: 0.10.2.dev20260603
libtpu: 0.0.44.dev20260713+nightly
codegen_flags: <defaults>
</compile_context>

<pallas_src>
import functools

import jax
import jax.numpy as jnp
from jax import lax
from jax.experimental import pallas as pl
from jax.experimental.pallas import tpu as pltpu
from jax.experimental.pallas import tpu_sc as plsc

B = 2
P = 20000
PPAD = 20480
H = 512
W = 512
MASK_DIM = 32
HP = 128
WP = 128
NC = 100
NK = 50
G = 16
EPS = 1e-6
R64 = 64
LATENT = 128
FEAT = 36
BIGI = 2**30

NW = 32
PERW = PPAD // NW
NCHK = PERW // 16
CAND = 112
COMBW = 128
SLO = -0x7F800001
SHI = 0x7F800001

_DOT = functools.partial(lax.dot_general, precision=lax.Precision.HIGHEST,
                         preferred_element_type=jnp.float32)


def _mm(a, b, ca, cb):
    return _DOT(a, b, dimension_numbers=(((ca,), (cb,)), ((), ())))


_DOTD = functools.partial(lax.dot_general, precision=lax.Precision.DEFAULT,
                          preferred_element_type=jnp.float32)


def _mmd(a, b, ca, cb):
    return _DOTD(a, b, dimension_numbers=(((ca,), (cb,)), ((), ())))


def _k0_body(c0_ref, c1_ref, sidx_ref, sval_ref):
    c0 = c0_ref[0]
    c1 = c1_ref[0]
    m = jnp.maximum(c0, c1)
    e0 = jnp.exp(c0 - m)
    e1 = jnp.exp(c1 - m)
    p = e1 / (e0 + e1)
    lin = (lax.broadcasted_iota(jnp.int32, (160, 128), 0) * 128
           + lax.broadcasted_iota(jnp.int32, (160, 128), 1))
    p = jnp.where(lin < P, p, -1.0)
    lane128 = lax.broadcasted_iota(jnp.int32, (1, 128), 1)

    def step(k, carry):
        cur, idxrow, valrow = carry
        mv = jnp.max(cur)
        pidx = jnp.min(jnp.where(cur == mv, lin, BIGI))
        valrow = jnp.where(lane128 == k, mv, valrow)
        idxrow = jnp.where(lane128 == k, pidx, idxrow)
        return (jnp.where(lin == pidx, -2.0, cur), idxrow, valrow)

    _, idxrow, valrow = lax.fori_loop(
        0, NC, step,
        (p, jnp.zeros((1, 128), jnp.int32), jnp.full((1, 128), -1.0)),
        unroll=False)
    sidx_ref[0] = idxrow
    sval_ref[0] = valrow


def _stage0(c0p, c1p):
    return pl.pallas_call(
        _k0_body,
        grid=(B,),
        in_specs=[
            pl.BlockSpec((1, 160, 128), lambda b: (b, 0, 0)),
            pl.BlockSpec((1, 160, 128), lambda b: (b, 0, 0)),
        ],
        out_specs=[
            pl.BlockSpec((1, 1, 128), lambda b: (b, 0, 0)),
            pl.BlockSpec((1, 1, 128), lambda b: (b, 0, 0)),
        ],
        out_shape=[
            jax.ShapeDtypeStruct((B, 1, 128), jnp.int32),
            jax.ShapeDtypeStruct((B, 1, 128), jnp.float32),
        ],
    )(c0p, c1p)


def _sc_gather_body(sidx_hbm, comb_hbm, rows_hbm, idx_v, rows_v, sem):
    cid = lax.axis_index("c")
    sid = lax.axis_index("s")
    wid = sid * 2 + cid
    for b in range(B):
        @pl.when(wid == b)
        def _g(b=b):
            pltpu.sync_copy(sidx_hbm.at[b], idx_v)
            for j in range(8):
                off = j * 16
                idx_v[pl.ds(off, 16)] = idx_v[pl.ds(off, 16)] + b * P
            pltpu.async_copy(comb_hbm.at[idx_v], rows_v, sem).wait()
            pltpu.sync_copy(rows_v, rows_hbm.at[b])


def _sc_gather(sidx, combflat):
    mesh = plsc.VectorSubcoreMesh(core_axis_name="c", subcore_axis_name="s",
                                  num_cores=2, num_subcores=16)
    f = pl.kernel(
        _sc_gather_body,
        out_type=jax.ShapeDtypeStruct((B, 128, COMBW), jnp.float32),
        mesh=mesh,
        scratch_types=[
            pltpu.VMEM((128,), jnp.int32),
            pltpu.VMEM((128, COMBW), jnp.float32),
            pltpu.SemaphoreType.DMA,
        ],
    )
    return f(sidx, combflat)


def _k1b_body(rows_ref, sval_ref, big_ref, small_ref,
              conf_scr, gauss_scr, iou_scr, rs_scr, ssum_scr):
    rows = rows_ref[0]
    s36 = rows[0:NC, 0:FEAT]
    sval = sval_ref[0]
    e100 = jnp.astype(
        lax.broadcasted_iota(jnp.int32, (NC, 128), 0)
        == lax.broadcasted_iota(jnp.int32, (NC, 128), 1), jnp.float32)
    conf_col = _mm(e100, sval, 1, 1)
    conf_scr[:, :] = conf_col
    conf_row = sval[:, 0:NC]

    cx = s36[:, 0:1]
    cy = s36[:, 1:2]
    sx = s36[:, 2:3] * 0.5 + 1e-2
    sy = s36[:, 3:4] * 0.5 + 1e-2
    q = lax.broadcasted_iota(jnp.int32, (1, G * G), 1)
    xs = (jnp.astype(q % G, jnp.float32) + 0.5) / G
    ys = (jnp.astype(q // G, jnp.float32) + 0.5) / G
    gauss = jnp.exp(-((xs - cx) ** 2 / (2.0 * sx * sx)
                      + (ys - cy) ** 2 / (2.0 * sy * sy)))
    gauss_scr[:, :] = gauss
    ones256 = jnp.ones((1, G * G), jnp.float32)
    s_col = _mm(gauss, ones256, 1, 1)
    s_row = _mm(ones256, gauss, 1, 1)
    ssum_scr[:, :] = s_col

    def iou_step(j, carry):
        rowj = gauss_scr[pl.ds(j, 1), :]
        sj = ssum_scr[pl.ds(j, 1), 0:1]
        mn = jnp.minimum(gauss, rowj)
        inter = _mm(ones256, mn, 1, 1)
        union = s_row + sj - inter
        iou_scr[pl.ds(j, 1), :] = inter / union
        return carry

    lax.fori_loop(0, NC, iou_step, jnp.int32(0), unroll=False)

    iou = iou_scr[:, :]
    ri = lax.broadcasted_iota(jnp.int32, (NC, NC), 0)
    cj = lax.broadcasted_iota(jnp.int32, (NC, NC), 1)
    triu = jnp.astype(ri < cj, jnp.float32)
    mm_ = iou * triu
    iou_max = jnp.max(mm_, axis=0, keepdims=True)

    onesr = jnp.ones((1, NC), jnp.float32)
    rs_col = _mm(mm_ * conf_row, onesr, 1, 1) * conf_col
    rs_scr[:, :] = rs_col

    lin100 = lax.broadcasted_iota(jnp.int32, (1, NC), 1)
    i8 = lax.broadcasted_iota(jnp.int32, (1, 8), 1)

    def keep_step(k, cur):
        mv = jnp.min(cur)
        cand = jnp.where(cur == mv, lin100, BIGI)
        idx = jnp.min(cand)
        big_ref[0, pl.ds(k, 1), :] = rows_ref[0, pl.ds(idx, 1), 0:FEAT]
        cv = conf_scr[pl.ds(idx, 1), 0:1]
        rv = rs_scr[pl.ds(idx, 1), 0:1]
        srow = (cv * jnp.astype(i8 == 0, jnp.float32)
                + rv * jnp.astype(i8 == 1, jnp.float32))
        small_ref[0, pl.ds(k, 1), :] = srow
        return jnp.where(lin100 == idx, jnp.float32(jnp.inf), cur)

    lax.fori_loop(0, NK, keep_step, iou_max, unroll=False)


def _stage1b(rows, svals3):
    return pl.pallas_call(
        _k1b_body,
        grid=(B,),
        in_specs=[
            pl.BlockSpec((1, 128, COMBW), lambda b: (b, 0, 0)),
            pl.BlockSpec((1, 1, 128), lambda b: (b, 0, 0)),
        ],
        out_specs=[
            pl.BlockSpec((1, NK, FEAT), lambda b: (b, 0, 0)),
            pl.BlockSpec((1, NK, 8), lambda b: (b, 0, 0)),
        ],
        out_shape=[
            jax.ShapeDtypeStruct((B, NK, FEAT), jnp.float32),
            jax.ShapeDtypeStruct((B, NK, 8), jnp.float32),
        ],
        scratch_shapes=[
            pltpu.VMEM((NC, 1), jnp.float32),
            pltpu.VMEM((NC, G * G), jnp.float32),
            pltpu.VMEM((NC, NC), jnp.float32),
            pltpu.VMEM((NC, 1), jnp.float32),
            pltpu.VMEM((NC, 1), jnp.float32),
        ],
    )(rows, svals3)


def _k2_body(img_ref, big_ref, small_ref, rmat_ref, rmt_ref,
             wenc_ref, wdec_ref, out_ref):
    big = big_ref[0]

    NPX = R64 * R64
    qcol = lax.broadcasted_iota(jnp.int32, (NPX, 1), 0)
    qy = qcol // R64
    qx = qcol % R64
    px = (jnp.astype(qx, jnp.float32) + 0.5) / R64
    py = (jnp.astype(qy, jnp.float32) + 0.5) / R64

    def sel_row(colmat, j, width):
        e = jnp.astype(lax.broadcasted_iota(jnp.int32, (1, width), 1) == j,
                       jnp.float32)
        return _mm(e, colmat, 1, 1)

    cxr = sel_row(big, 0, FEAT)
    cyr = sel_row(big, 1, FEAT)
    sxr = sel_row(big, 2, FEAT) * 0.5 + 1e-2
    syr = sel_row(big, 3, FEAT) * 0.5 + 1e-2
    g = jnp.exp(-((px - cxr) ** 2 / (2.0 * sxr * sxr)
                  + (py - cyr) ** 2 / (2.0 * syr * syr)))

    rs_row = sel_row(small_ref[0], 1, 8)

    ey = jnp.astype(
        lax.broadcasted_iota(jnp.int32, (NPX, R64), 0) // R64
        == lax.broadcasted_iota(jnp.int32, (NPX, R64), 1), jnp.float32)
    ex = jnp.astype(
        lax.broadcasted_iota(jnp.int32, (NPX, R64), 0) % R64
        == lax.broadcasted_iota(jnp.int32, (NPX, R64), 1), jnp.float32)

    rmat = rmat_ref[:, :]
    rmt = rmt_ref[:, :]
    ae_acc = jnp.zeros((1, NK), jnp.float32)
    latent = jnp.zeros((NK, LATENT), jnp.float32)
    fcs = []
    for c in range(3):
        a = _mmd(rmat, img_ref[0, c], 1, 0)
        s = _mmd(a, rmt, 1, 0)
        t = _mmd(ex, s, 1, 1)
        sflat = jnp.sum(ey * t, axis=1, keepdims=True)
        fc = g * sflat
        fcs.append(fc)
        wc = wenc_ref[pl.ds(c * NPX, NPX), :]
        latent = latent + _mmd(fc, wc, 0, 0)
    for c in range(3):
        wdc = wdec_ref[:, pl.ds(c * NPX, NPX)]
        recon_t = _mmd(wdc, latent, 0, 1)
        d = recon_t - fcs[c]
        ae_acc = ae_acc + jnp.sum(d * d, axis=0, keepdims=True)
    ae = ae_acc * (1.0 / (3 * NPX))
    contrib = jnp.sum(ae * rs_row)
    out_ref[0] = jnp.full((8, 128), contrib, jnp.float32)


def _stage2(original, big, small, rmat, rmt, wenc, wdec):
    return pl.pallas_call(
        _k2_body,
        grid=(B,),
        in_specs=[
            pl.BlockSpec((1, 3, H, W), lambda b: (b, 0, 0, 0)),
            pl.BlockSpec((1, NK, FEAT), lambda b: (b, 0, 0)),
            pl.BlockSpec((1, NK, 8), lambda b: (b, 0, 0)),
            pl.BlockSpec((R64, H), lambda b: (0, 0)),
            pl.BlockSpec((H, R64), lambda b: (0, 0)),
            pl.BlockSpec((3 * R64 * R64, LATENT), lambda b: (0, 0)),
            pl.BlockSpec((LATENT, 3 * R64 * R64), lambda b: (0, 0)),
        ],
        out_specs=pl.BlockSpec((1, 8, 128), lambda b: (b, 0, 0)),
        out_shape=jax.ShapeDtypeStruct((B, 8, 128), jnp.float32),
    )(original, big, small, rmat, rmt, wenc, wdec)


CHUNK_ROWS = 16
NCHUNK = HP // CHUNK_ROWS
CPIX = CHUNK_ROWS * WP


def _k3_body(proto_ref, big_ref, small_ref, umat_ref, umt_ref, out_ref,
             fc_scr):
    ci = pl.program_id(1)
    proto2 = jnp.reshape(proto_ref[0], (CPIX, MASK_DIM))
    big = big_ref[0]

    cx = big[:, 0:1]
    cy = big[:, 1:2]
    sx = big[:, 2:3] * 0.5 + 1e-2
    sy = big[:, 3:4] * 0.5 + 1e-2
    confc = small_ref[0][:, 0:1]

    mask50 = big[:, 4:36]
    asm = _mmd(mask50, proto2, 1, 1)
    asm = jax.nn.sigmoid(asm)

    qrow = (lax.broadcasted_iota(jnp.int32, (1, CPIX), 1)
            + ci * CPIX)
    qy = qrow // WP
    qx = qrow % WP
    px = (jnp.astype(qx, jnp.float32) + 0.5) / WP
    py = (jnp.astype(qy, jnp.float32) + 0.5) / HP
    ug = jnp.exp(-((px - cx) ** 2 / (2.0 * sx * sx)
                   + (py - cy) ** 2 / (2.0 * sy * sy)))

    mc = asm * ug * confc
    denom = jnp.sum(mc, axis=0, keepdims=True) + EPS
    s2 = jnp.sum(mc * mc, axis=0, keepdims=True) / denom
    fc = 1.0 - s2
    fc = jnp.where(fc != fc, 0.0, fc)

    for j in range(CHUNK_ROWS):
        fc_scr[pl.ds(ci * CHUNK_ROWS + j, 1), :] = (
            fc[:, j * WP:(j + 1) * WP])

    @pl.when(ci == NCHUNK - 1)
    def _():
        fcm = fc_scr[:, :]
        t1 = _mmd(umat_ref[:, :], fcm, 1, 0)
        out_ref[0] = _mmd(t1, umt_ref[:, :], 1, 0)


def _stage3(proto, big, small, umat, umt):
    return pl.pallas_call(
        _k3_body,
        grid=(B, NCHUNK),
        in_specs=[
            pl.BlockSpec((1, CHUNK_ROWS, WP, MASK_DIM),
                         lambda b, c: (b, c, 0, 0)),
            pl.BlockSpec((1, NK, FEAT), lambda b, c: (b, 0, 0)),
            pl.BlockSpec((1, NK, 8), lambda b, c: (b, 0, 0)),
            pl.BlockSpec((H, HP), lambda b, c: (0, 0)),
            pl.BlockSpec((HP, H), lambda b, c: (0, 0)),
        ],
        out_specs=pl.BlockSpec((1, H, W), lambda b, c: (b, 0, 0)),
        out_shape=jax.ShapeDtypeStruct((B, H, W), jnp.float32),
        scratch_shapes=[pltpu.VMEM((HP, HP), jnp.float32)],
    )(proto, big, small, umat, umt)


def _k4_body(img_ref, rsz_ref, out_ref):
    r0 = rsz_ref[0]
    r1 = rsz_ref[1]
    tc = r0 + r1
    acc = jnp.zeros((H, W), jnp.float32)
    for c in range(3):
        o0 = img_ref[0, c]
        o1 = img_ref[1, c]
        wm = (o0 * r0 + o1 * r1) / tc
        acc = acc + ((o0 - wm) ** 2 * r0 + (o1 - wm) ** 2 * r1) / (tc + EPS)
    total = jnp.sum(acc) / HP * B
    out_ref[:, :] = jnp.full((8, 128), total, jnp.float32)


def _stage4(original, resized):
    return pl.pallas_call(
        _k4_body,
        in_specs=[
            pl.BlockSpec((B, 3, H, W), lambda: (0, 0, 0, 0)),
            pl.BlockSpec((B, H, W), lambda: (0, 0, 0)),
        ],
        out_specs=pl.BlockSpec((8, 128), lambda: (0, 0)),
        out_shape=jax.ShapeDtypeStruct((8, 128), jnp.float32),
    )(original, resized)


def kernel(original, loc, conf, mask, proto, W_enc, W_dec):
    f32 = jnp.float32
    original = original.astype(f32)

    rmat = jax.image.resize(jnp.eye(H, dtype=f32), (R64, H), 'bilinear')
    umat = jax.image.resize(jnp.eye(HP, dtype=f32), (H, HP), 'bilinear')

    pad = ((0, 0), (0, PPAD - P))
    c0p = jnp.pad(conf[:, :, 0], pad).reshape(B, 160, 128)
    c1p = jnp.pad(conf[:, :, 1], pad).reshape(B, 160, 128)
    combflat = jnp.concatenate(
        [loc, mask, jnp.zeros((B, P, COMBW - FEAT), f32)], axis=2)
    combflat = combflat.reshape(B * P, COMBW)

    sidx3, svals3 = _stage0(c0p, c1p)
    rows = _sc_gather(sidx3.reshape(B, 128), combflat)
    big, small = _stage1b(rows, svals3)

    ae_part = _stage2(original, big, small, rmat, rmat.T, W_enc, W_dec)
    resized = _stage3(proto, big, small, umat, umat.T)
    var_part = _stage4(original, resized)

    out_loc = big[:, :, 0:4]
    out_mask = big[:, :, 4:36]
    out_conf = small[:, :, 0]
    ae_total = (ae_part[0, 0, 0] + ae_part[1, 0, 0]) / (B * NC * NC)
    var_loss = var_part[0, 0]
    return out_loc, out_mask, out_conf, ae_total, var_loss

# --- scband reference (transcript-rebuilt; emitter-appended) ---
"""Pipeline reference for scband-unsupervised-loss-73727408603748 (READ-ONLY COPY).

The authoritative reference and input builder live on the scoring server;
editing this copy changes nothing except your own understanding.
"""

import jax, jax.numpy as jnp
import numpy as np

B = 2
P_PRIORS = 20000
H = 512
W = 512
MASK_DIM = 32
HP = 128
WP = 128
TOP_K_CONF = 100
TOP_K_IOU = 50
IOU_G = (16, 16)
EPS = 1e-6
AE_RES = 64
LATENT = 128


def unnormal_gaussian(mask_shape, loc):
    # loc: [..., N, 4] with (cx, cy, w, h) in [0,1); returns [..., N, Hh, Ww]
    Hh, Ww = mask_shape
    ys = (jnp.arange(Hh, dtype=jnp.float32) + 0.5) / Hh
    xs = (jnp.arange(Ww, dtype=jnp.float32) + 0.5) / Ww
    cx = loc[..., 0][..., None, None]
    cy = loc[..., 1][..., None, None]
    sx = loc[..., 2][..., None, None] * 0.5 + 1e-2
    sy = loc[..., 3][..., None, None] * 0.5 + 1e-2
    yy = ys[:, None]
    xx = xs[None, :]
    return jnp.exp(-(((xx - cx) ** 2) / (2.0 * sx ** 2) + ((yy - cy) ** 2) / (2.0 * sy ** 2)))


def setup_inputs(seed: int = 0):
    key = jax.random.key(seed)
    ks = jax.random.split(key, 8)
    original = jax.random.normal(ks[0], (B, 3, H, W), dtype=jnp.float32)
    loc = jax.random.uniform(ks[1], (B, P_PRIORS, 4), dtype=jnp.float32)
    conf = jax.random.normal(ks[2], (B, P_PRIORS, 2), dtype=jnp.float32)
    mask = jax.random.normal(ks[3], (B, P_PRIORS, MASK_DIM), dtype=jnp.float32)
    proto = jax.random.normal(ks[4], (B, HP, WP, MASK_DIM), dtype=jnp.float32)
    W_enc = jax.random.normal(ks[5], (3 * AE_RES * AE_RES, LATENT), dtype=jnp.float32) * 0.01
    W_dec = jax.random.normal(ks[6], (LATENT, 3 * AE_RES * AE_RES), dtype=jnp.float32) * 0.01
    return {"original": original, "loc": loc, "conf": conf, "mask": mask, "proto": proto, "W_enc": W_enc, "W_dec": W_dec}


def _forward(original, loc, conf, mask, proto, W_enc, W_dec):
    original = original.astype(jnp.float32)
    # conf softmax, take foreground class
    conf1 = jax.nn.softmax(conf, axis=2)[:, :, 1]
    # ---- detect ----
    sorted_conf, idx = jax.lax.top_k(conf1, TOP_K_CONF)
    sorted_loc = jnp.take_along_axis(loc, idx[:, :, None], axis=1)
    sorted_mask = jnp.take_along_axis(mask, idx[:, :, None], axis=1)
    gauss = unnormal_gaussian(IOU_G, sorted_loc)  # [B, Nc, Gh, Gw]
    rows = gauss[:, None, :, :, :]  # j along dim 2
    cols = gauss[:, :, None, :, :]  # i along dim 1
    inter = jnp.sum(jnp.minimum(rows, cols), axis=(3, 4))
    union = jnp.sum(jnp.maximum(rows, cols), axis=(3, 4))
    iou = inter / union  # [B, Nc, Nc]
    triu = jnp.triu(jnp.ones((TOP_K_CONF, TOP_K_CONF), dtype=jnp.float32), 1)
    iou_max = jnp.max(iou * triu, axis=1)  # [B, Nc]
    _, keep = jax.lax.top_k(-iou_max, TOP_K_IOU)  # smallest overlap kept
    # ---- ae scaled loss ----
    conf_mat = jnp.einsum('bi,bj->bij', sorted_conf, sorted_conf)
    final_scale = iou * (conf_mat * triu)
    keep_loc = jnp.take_along_axis(sorted_loc, keep[:, :, None], axis=1)
    img_small = jax.image.resize(original, (B, 3, AE_RES, AE_RES), method='bilinear')
    g = unnormal_gaussian((AE_RES, AE_RES), keep_loc)  # [B, Nk, r, r]
    masked = img_small[:, None, :, :, :] * g[:, :, None, :, :]  # [B, Nk, 3, r, r]
    flat = masked.reshape(B, TOP_K_IOU, -1)
    recon = (flat @ W_enc) @ W_dec
    ae_loss = jnp.mean((recon - flat) ** 2, axis=-1)  # [B, Nk]
    ae_grid = jnp.zeros_like(final_scale)
    ae_grid = ae_grid.at[jnp.arange(B)[:, None], keep].set(
        jnp.broadcast_to(ae_loss[:, :, None], (B, TOP_K_IOU, TOP_K_CONF)))
    ae_grid = ae_grid * final_scale
    ae_total = jnp.mean(ae_grid)
    # ---- gather kept detections ----
    out_loc = keep_loc
    out_mask = jnp.take_along_axis(sorted_mask, keep[:, :, None], axis=1)
    out_conf = jnp.take_along_axis(sorted_conf, keep, axis=1)
    # ---- variance loss ----
    ug = unnormal_gaussian((HP, WP), out_loc)  # [B, Nk, HP, WP]
    assembled = jnp.einsum('bhwp,bnp->bnhw', proto, out_mask)
    assembled = jax.nn.sigmoid(assembled)
    attention = assembled * ug
    mc = attention * out_conf[:, :, None, None]
    denom = jnp.sum(mc, axis=1, keepdims=True) + EPS
    finalConf = 1.0 - jnp.sum(mc ** 2 / denom, axis=1)
    finalConf = jnp.where(jnp.isnan(finalConf), jnp.zeros_like(finalConf), finalConf)
    resized = jax.image.resize(finalConf[:, None, :, :], (B, 1, H, W), method='bilinear')[:, 0]
    totalConf = jnp.sum(resized, axis=0)  # [H, W]
    weightedMean = jnp.einsum('abcd,acd->bcd', original, resized) / totalConf
    squaredDiff = (original - weightedMean[None]) ** 2
    weightedDiff = squaredDiff * resized[:, None, :, :]
    weightedVariance = weightedDiff / (totalConf + EPS)
    var_loss = jnp.sum(weightedVariance) / HP * B
    return out_loc, out_mask, out_conf, ae_total, var_loss


def reference(original, loc, conf, mask, proto, W_enc, W_dec):
    return _forward(original, loc, conf, mask, proto, W_enc, W_dec)

if __name__ == "__main__":
    import jax
    _d = setup_inputs()
    print(jax.jit(kernel)(*tuple(_d.values())))

</pallas_src>

<mosaic_0001>
#map = affine_map<(d0, d1) -> (0, 0)>
#map1 = affine_map<(d0, d1) -> (0, 0, 0)>
module attributes {stable_mosaic.version = 14 : i64} {
  func.func @_sc_gather_body(%arg0: i32, %arg1: i32, %arg2: memref<2x128xi32, #tpu.memory_space<hbm>>, %arg3: memref<40000x128xf32, #tpu.memory_space<hbm>>, %arg4: memref<2x128x128xf32, #tpu.memory_space<hbm>>, %arg5: memref<128xi32, #tpu.memory_space<vmem>>, %arg6: memref<128x128xf32, #tpu.memory_space<vmem>>, %arg7: memref<!tpu.dma_semaphore, #tpu.memory_space<semaphore_mem>>) attributes {dimension_semantics = [#tpu.dimension_semantics<core_parallel>, #tpu.dimension_semantics<subcore_parallel>], iteration_bounds = array<i64: 2, 16>, scalar_prefetch = 0 : i64, scratch_operands = 3 : i64, tpu.core_type = #tpu.core_type<sc_vector_subcore>, window_params = [{transform_indices = #map}, {transform_indices = #map}, {transform_indices = #map1}]} {
    %mul3A = arith.constant 2 : i32
    %mul3A_0 = arith.muli %arg1, %mul3A : i32
    %add3A = arith.addi %mul3A_0, %arg0 : i32
    %eq3A = arith.constant 0 : i32
    %eq3A_1 = arith.cmpi eq, %add3A, %eq3A : i32
    %convert_element_type3A = arith.extui %eq3A_1 : i1 to i32
    %cond3A = arith.constant 0 : i32
    %cond3A_2 = arith.cmpi ne, %convert_element_type3A, %cond3A : i32
    scf.if %cond3A_2 {
      %run_scoped3A = arith.constant 0 : i32
      "tpu.region"() ({
        %run_scoped3A_91 = tpu.sem_alloc : memref<!tpu.dma_semaphore, #tpu.memory_space<semaphore_mem>>
        %dma_start3A_92 = arith.constant 0 : i32
        %dma_start3A_93 = tpu.memref_slice %arg2[%run_scoped3A, %dma_start3A_92] : memref<2x128xi32, #tpu.memory_space<hbm>> -> memref<1x128xi32, #tpu.memory_space<hbm>>
        %dma_start3A_94 = tpu.memref_squeeze %dma_start3A_93 : memref<1x128xi32, #tpu.memory_space<hbm>> -> memref<128xi32, #tpu.memory_space<hbm>>
        %dma_start3A_95 = arith.constant 0 : i32
        %dma_start3A_96 = tpu.memref_slice %arg2[%run_scoped3A, %dma_start3A_95] : memref<2x128xi32, #tpu.memory_space<hbm>> -> memref<1x128xi32, #tpu.memory_space<hbm>>
        %dma_start3A_97 = tpu.memref_squeeze %dma_start3A_96 : memref<1x128xi32, #tpu.memory_space<hbm>> -> memref<128xi32, #tpu.memory_space<hbm>>
        tpu.enqueue_dma source(%dma_start3A_97 : memref<128xi32, #tpu.memory_space<hbm>>) target(%arg5 : memref<128xi32, #tpu.memory_space<vmem>>) target_semaphore(%run_scoped3A_91 : memref<!tpu.dma_semaphore, #tpu.memory_space<semaphore_mem>>)
        %dma_wait3A_98 = arith.constant 0 : i32
        %dma_wait3A_99 = tpu.memref_slice %arg2[%run_scoped3A, %dma_wait3A_98] : memref<2x128xi32, #tpu.memory_space<hbm>> -> memref<1x128xi32, #tpu.memory_space<hbm>>
        %dma_wait3A_100 = tpu.memref_squeeze %dma_wait3A_99 : memref<1x128xi32, #tpu.memory_space<hbm>> -> memref<128xi32, #tpu.memory_space<hbm>>
        %dma_wait3A_101 = arith.constant 0 : i32
        %dma_wait3A_102 = tpu.memref_slice %arg2[%run_scoped3A, %dma_wait3A_101] : memref<2x128xi32, #tpu.memory_space<hbm>> -> memref<1x128xi32, #tpu.memory_space<hbm>>
        %dma_wait3A_103 = tpu.memref_squeeze %dma_wait3A_102 : memref<1x128xi32, #tpu.memory_space<hbm>> -> memref<128xi32, #tpu.memory_space<hbm>>
        tpu.wait_dma2 semaphore(%run_scoped3A_91 : memref<!tpu.dma_semaphore, #tpu.memory_space<semaphore_mem>>) src(%dma_wait3A_103 : memref<128xi32, #tpu.memory_space<hbm>>) dst(%arg5 : memref<128xi32, #tpu.memory_space<vmem>>)
        tpu.yield
      }) : () -> ()
      %get3A = arith.constant 0 : index
      %get3A_8 = tpu.vector_load %arg5[%get3A] {strides = array<i32>} : memref<128xi32, #tpu.memory_space<vmem>>, vector<16xi32>,
      %get3A_9 = vector.shape_cast %get3A_8 : vector<16xi32> to vector<16xi32>
      %add3A_10 = arith.constant 0 : i32
      %add3A_11 = vector.broadcast %add3A_10 : i32 to vector<16xi32>
      %add3A_12 = arith.addi %get3A_9, %add3A_11 : vector<16xi32>
      %swap3A = arith.constant 0 : index
      %swap3A_13 = tpu.vector_load %arg5[%swap3A] {strides = array<i32>} : memref<128xi32, #tpu.memory_space<vmem>>, vector<16xi32>,
      %swap3A_14 = vector.shape_cast %swap3A_13 : vector<16xi32> to vector<16xi32>
      %swap3A_15 = vector.shape_cast %add3A_12 : vector<16xi32> to vector<16xi32>
      tpu.vector_store %arg5[%swap3A], %swap3A_15 {strides = array<i32>} : memref<128xi32, #tpu.memory_space<vmem>>, vector<16xi32>,
      %get3A_16 = arith.constant 16 : index
      %get3A_17 = tpu.vector_load %arg5[%get3A_16] {strides = array<i32>} : memref<128xi32, #tpu.memory_space<vmem>>, vector<16xi32>,
      %get3A_18 = vector.shape_cast %get3A_17 : vector<16xi32> to vector<16xi32>
      %add3A_19 = arith.constant 0 : i32
      %add3A_20 = vector.broadcast %add3A_19 : i32 to vector<16xi32>
      %add3A_21 = arith.addi %get3A_18, %add3A_20 : vector<16xi32>
      %swap3A_22 = arith.constant 16 : index
      %swap3A_23 = tpu.vector_load %arg5[%swap3A_22] {strides = array<i32>} : memref<128xi32, #tpu.memory_space<vmem>>, vector<16xi32>,
      %swap3A_24 = vector.shape_cast %swap3A_23 : vector<16xi32> to vector<16xi32>
      %swap3A_25 = vector.shape_cast %add3A_21 : vector<16xi32> to vector<16xi32>
      tpu.vector_store %arg5[%swap3A_22], %swap3A_25 {strides = array<i32>} : memref<128xi32, #tpu.memory_space<vmem>>, vector<16xi32>,
      %get3A_26 = arith.constant 32 : index
      %get3A_27 = tpu.vector_load %arg5[%get3A_26] {strides = array<i32>} : memref<128xi32, #tpu.memory_space<vmem>>, vector<16xi32>,
      %get3A_28 = vector.shape_cast %get3A_27 : vector<16xi32> to vector<16xi32>
      %add3A_29 = arith.constant 0 : i32
      %add3A_30 = vector.broadcast %add3A_29 : i32 to vector<16xi32>
      %add3A_31 = arith.addi %get3A_28, %add3A_30 : vector<16xi32>
      %swap3A_32 = arith.constant 32 : index
      %swap3A_33 = tpu.vector_load %arg5[%swap3A_32] {strides = array<i32>} : memref<128xi32, #tpu.memory_space<vmem>>, vector<16xi32>,
      %swap3A_34 = vector.shape_cast %swap3A_33 : vector<16xi32> to vector<16xi32>
      %swap3A_35 = vector.shape_cast %add3A_31 : vector<16xi32> to vector<16xi32>
      tpu.vector_store %arg5[%swap3A_32], %swap3A_35 {strides = array<i32>} : memref<128xi32, #tpu.memory_space<vmem>>, vector<16xi32>,
      %get3A_36 = arith.constant 48 : index
      %get3A_37 = tpu.vector_load %arg5[%get3A_36] {strides = array<i32>} : memref<128xi32, #tpu.memory_space<vmem>>, vector<16xi32>,
      %get3A_38 = vector.shape_cast %get3A_37 : vector<16xi32> to vector<16xi32>
      %add3A_39 = arith.constant 0 : i32
      %add3A_40 = vector.broadcast %add3A_39 : i32 to vector<16xi32>
      %add3A_41 = arith.addi %get3A_38, %add3A_40 : vector<16xi32>
      %swap3A_42 = arith.constant 48 : index
      %swap3A_43 = tpu.vector_load %arg5[%swap3A_42] {strides = array<i32>} : memref<128xi32, #tpu.memory_space<vmem>>, vector<16xi32>,
      %swap3A_44 = vector.shape_cast %swap3A_43 : vector<16xi32> to vector<16xi32>
      %swap3A_45 = vector.shape_cast %add3A_41 : vector<16xi32> to vector<16xi32>
      tpu.vector_store %arg5[%swap3A_42], %swap3A_45 {strides = array<i32>} : memref<128xi32, #tpu.memory_space<vmem>>, vector<16xi32>,
      %get3A_46 = arith.constant 64 : index
      %get3A_47 = tpu.vector_load %arg5[%get3A_46] {strides = array<i32>} : memref<128xi32, #tpu.memory_space<vmem>>, vector<16xi32>,
      %get3A_48 = vector.shape_cast %get3A_47 : vector<16xi32> to vector<16xi32>
      %add3A_49 = arith.constant 0 : i32
      %add3A_50 = vector.broadcast %add3A_49 : i32 to vector<16xi32>
      %add3A_51 = arith.addi %get3A_48, %add3A_50 : vector<16xi32>
      %swap3A_52 = arith.constant 64 : index
      %swap3A_53 = tpu.vector_load %arg5[%swap3A_52] {strides = array<i32>} : memref<128xi32, #tpu.memory_space<vmem>>, vector<16xi32>,
      %swap3A_54 = vector.shape_cast %swap3A_53 : vector<16xi32> to vector<16xi32>
      %swap3A_55 = vector.shape_cast %add3A_51 : vector<16xi32> to vector<16xi32>
      tpu.vector_store %arg5[%swap3A_52], %swap3A_55 {strides = array<i32>} : memref<128xi32, #tpu.memory_space<vmem>>, vector<16xi32>,
      %get3A_56 = arith.constant 80 : index
      %get3A_57 = tpu.vector_load %arg5[%get3A_56] {strides = array<i32>} : memref<128xi32, #tpu.memory_space<vmem>>, vector<16xi32>,
      %get3A_58 = vector.shape_cast %get3A_57 : vector<16xi32> to vector<16xi32>
      %add3A_59 = arith.constant 0 : i32
      %add3A_60 = vector.broadcast %add3A_59 : i32 to vector<16xi32>
      %add3A_61 = arith.addi %get3A_58, %add3A_60 : vector<16xi32>
      %swap3A_62 = arith.constant 80 : index
      %swap3A_63 = tpu.vector_load %arg5[%swap3A_62] {strides = array<i32>} : memref<128xi32, #tpu.memory_space<vmem>>, vector<16xi32>,
      %swap3A_64 = vector.shape_cast %swap3A_63 : vector<16xi32> to vector<16xi32>
      %swap3A_65 = vector.shape_cast %add3A_61 : vector<16xi32> to vector<16xi32>
      tpu.vector_store %arg5[%swap3A_62], %swap3A_65 {strides = array<i32>} : memref<128xi32, #tpu.memory_space<vmem>>, vector<16xi32>,
      %get3A_66 = arith.constant 96 : index
      %get3A_67 = tpu.vector_load %arg5[%get3A_66] {strides = array<i32>} : memref<128xi32, #tpu.memory_space<vmem>>, vector<16xi32>,
      %get3A_68 = vector.shape_cast %get3A_67 : vector<16xi32> to vector<16xi32>
      %add3A_69 = arith.constant 0 : i32
      %add3A_70 = vector.broadcast %add3A_69 : i32 to vector<16xi32>
      %add3A_71 = arith.addi %get3A_68, %add3A_70 : vector<16xi32>
      %swap3A_72 = arith.constant 96 : index
      %swap3A_73 = tpu.vector_load %arg5[%swap3A_72] {strides = array<i32>} : memref<128xi32, #tpu.memory_space<vmem>>, vector<16xi32>,
      %swap3A_74 = vector.shape_cast %swap3A_73 : vector<16xi32> to vector<16xi32>
      %swap3A_75 = vector.shape_cast %add3A_71 : vector<16xi32> to vector<16xi32>
      tpu.vector_store %arg5[%swap3A_72], %swap3A_75 {strides = array<i32>} : memref<128xi32, #tpu.memory_space<vmem>>, vector<16xi32>,
      %get3A_76 = arith.constant 112 : index
      %get3A_77 = tpu.vector_load %arg5[%get3A_76] {strides = array<i32>} : memref<128xi32, #tpu.memory_space<vmem>>, vector<16xi32>,
      %get3A_78 = vector.shape_cast %get3A_77 : vector<16xi32> to vector<16xi32>
      %add3A_79 = arith.constant 0 : i32
      %add3A_80 = vector.broadcast %add3A_79 : i32 to vector<16xi32>
      %add3A_81 = arith.addi %get3A_78, %add3A_80 : vector<16xi32>
      %swap3A_82 = arith.constant 112 : index
      %swap3A_83 = tpu.vector_load %arg5[%swap3A_82] {strides = array<i32>} : memref<128xi32, #tpu.memory_space<vmem>>, vector<16xi32>,
      %swap3A_84 = vector.shape_cast %swap3A_83 : vector<16xi32> to vector<16xi32>
      %swap3A_85 = vector.shape_cast %add3A_81 : vector<16xi32> to vector<16xi32>
      tpu.vector_store %arg5[%swap3A_82], %swap3A_85 {strides = array<i32>} : memref<128xi32, #tpu.memory_space<vmem>>, vector<16xi32>,
      %dma_start3A = arith.constant 0 : i32
      %dma_start3A_86 = arith.constant 0 : i32
      %dma_start3A_87 = tpu.memref_slice %arg3[%dma_start3A, %dma_start3A_86] : memref<40000x128xf32, #tpu.memory_space<hbm>> -> memref<40000x128xf32, #tpu.memory_space<hbm>>
      tpu.enqueue_indirect_dma source(%dma_start3A_87 : memref<40000x128xf32, #tpu.memory_space<hbm>>) target(%arg6 : memref<128x128xf32, #tpu.memory_space<vmem>>) offsets(%arg5 : memref<128xi32, #tpu.memory_space<vmem>>) semaphore(%arg7 : memref<!tpu.dma_semaphore, #tpu.memory_space<semaphore_mem>>)
      %dma_wait3A = arith.constant 0 : i32
      %dma_wait3A_88 = arith.constant 0 : i32
      %dma_wait3A_89 = tpu.memref_slice %arg3[%dma_wait3A, %dma_wait3A_88] : memref<40000x128xf32, #tpu.memory_space<hbm>> -> memref<40000x128xf32, #tpu.memory_space<hbm>>
      tpu.wait_indirect_dma semaphore(%arg7 : memref<!tpu.dma_semaphore, #tpu.memory_space<semaphore_mem>>) src(%dma_wait3A_89 : memref<40000x128xf32, #tpu.memory_space<hbm>>) dst(%arg6 : memref<128x128xf32, #tpu.memory_space<vmem>>)
      %run_scoped3A_90 = arith.constant 0 : i32
      "tpu.region"() ({
        %run_scoped3A_91 = tpu.sem_alloc : memref<!tpu.dma_semaphore, #tpu.memory_space<semaphore_mem>>
        %dma_start3A_92 = arith.constant 0 : i32
        %dma_start3A_93 = arith.constant 0 : i32
        %dma_start3A_94 = tpu.memref_slice %arg4[%run_scoped3A_90, %dma_start3A_92, %dma_start3A_93] : memref<2x128x128xf32, #tpu.memory_space<hbm>> -> memref<1x128x128xf32, #tpu.memory_space<hbm>>
        %dma_start3A_95 = tpu.memref_squeeze %dma_start3A_94 : memref<1x128x128xf32, #tpu.memory_space<hbm>> -> memref<128x128xf32, #tpu.memory_space<hbm>>
        %dma_start3A_96 = arith.constant 0 : i32
        %dma_start3A_97 = arith.constant 0 : i32
        %dma_start3A_98 = tpu.memref_slice %arg4[%run_scoped3A_90, %dma_start3A_96, %dma_start3A_97] : memref<2x128x128xf32, #tpu.memory_space<hbm>> -> memref<1x128x128xf32, #tpu.memory_space<hbm>>
        %dma_start3A_99 = tpu.memref_squeeze %dma_start3A_98 : memref<1x128x128xf32, #tpu.memory_space<hbm>> -> memref<128x128xf32, #tpu.memory_space<hbm>>
        tpu.enqueue_dma source(%arg6 : memref<128x128xf32, #tpu.memory_space<vmem>>) target(%dma_start3A_99 : memref<128x128xf32, #tpu.memory_space<hbm>>) target_semaphore(%run_scoped3A_91 : memref<!tpu.dma_semaphore, #tpu.memory_space<semaphore_mem>>)
        %dma_wait3A_100 = arith.constant 0 : i32
        %dma_wait3A_101 = arith.constant 0 : i32
        %dma_wait3A_102 = tpu.memref_slice %arg4[%run_scoped3A_90, %dma_wait3A_100, %dma_wait3A_101] : memref<2x128x128xf32, #tpu.memory_space<hbm>> -> memref<1x128x128xf32, #tpu.memory_space<hbm>>
        %dma_wait3A_103 = tpu.memref_squeeze %dma_wait3A_102 : memref<1x128x128xf32, #tpu.memory_space<hbm>> -> memref<128x128xf32, #tpu.memory_space<hbm>>
        %dma_wait3A_104 = arith.constant 0 : i32
        %dma_wait3A_105 = arith.constant 0 : i32
        %dma_wait3A_106 = tpu.memref_slice %arg4[%run_scoped3A_90, %dma_wait3A_104, %dma_wait3A_105] : memref<2x128x128xf32, #tpu.memory_space<hbm>> -> memref<1x128x128xf32, #tpu.memory_space<hbm>>
        %dma_wait3A_107 = tpu.memref_squeeze %dma_wait3A_106 : memref<1x128x128xf32, #tpu.memory_space<hbm>> -> memref<128x128xf32, #tpu.memory_space<hbm>>
        tpu.wait_dma2 semaphore(%run_scoped3A_91 : memref<!tpu.dma_semaphore, #tpu.memory_space<semaphore_mem>>) src(%arg6 : memref<128x128xf32, #tpu.memory_space<vmem>>) dst(%dma_wait3A_107 : memref<128x128xf32, #tpu.memory_space<hbm>>)
        tpu.yield
      }) : () -> ()
    } else {
    }
    %eq3A_3 = arith.constant 1 : i32
    %eq3A_4 = arith.cmpi eq, %add3A, %eq3A_3 : i32
    %convert_element_type3A_5 = arith.extui %eq3A_4 : i1 to i32
    %cond3A_6 = arith.constant 0 : i32
    %cond3A_7 = arith.cmpi ne, %convert_element_type3A_5, %cond3A_6 : i32
    scf.if %cond3A_7 {
      %run_scoped3A = arith.constant 1 : i32
      "tpu.region"() ({
        %run_scoped3A_91 = tpu.sem_alloc : memref<!tpu.dma_semaphore, #tpu.memory_space<semaphore_mem>>
        %dma_start3A_92 = arith.constant 0 : i32
        %dma_start3A_93 = tpu.memref_slice %arg2[%run_scoped3A, %dma_start3A_92] : memref<2x128xi32, #tpu.memory_space<hbm>> -> memref<1x128xi32, #tpu.memory_space<hbm>>
        %dma_start3A_94 = tpu.memref_squeeze %dma_start3A_93 : memref<1x128xi32, #tpu.memory_space<hbm>> -> memref<128xi32, #tpu.memory_space<hbm>>
        %dma_start3A_95 = arith.constant 0 : i32
        %dma_start3A_96 = tpu.memref_slice %arg2[%run_scoped3A, %dma_start3A_95] : memref<2x128xi32, #tpu.memory_space<hbm>> -> memref<1x128xi32, #tpu.memory_space<hbm>>
        %dma_start3A_97 = tpu.memref_squeeze %dma_start3A_96 : memref<1x128xi32, #tpu.memory_space<hbm>> -> memref<128xi32, #tpu.memory_space<hbm>>
        tpu.enqueue_dma source(%dma_start3A_97 : memref<128xi32, #tpu.memory_space<hbm>>) target(%arg5 : memref<128xi32, #tpu.memory_space<vmem>>) target_semaphore(%run_scoped3A_91 : memref<!tpu.dma_semaphore, #tpu.memory_space<semaphore_mem>>)
        %dma_wait3A_98 = arith.constant 0 : i32
        %dma_wait3A_99 = tpu.memref_slice %arg2[%run_scoped3A, %dma_wait3A_98] : memref<2x128xi32, #tpu.memory_space<hbm>> -> memref<1x128xi32, #tpu.memory_space<hbm>>
        %dma_wait3A_100 = tpu.memref_squeeze %dma_wait3A_99 : memref<1x128xi32, #tpu.memory_space<hbm>> -> memref<128xi32, #tpu.memory_space<hbm>>
        %dma_wait3A_101 = arith.constant 0 : i32
        %dma_wait3A_102 = tpu.memref_slice %arg2[%run_scoped3A, %dma_wait3A_101] : memref<2x128xi32, #tpu.memory_space<hbm>> -> memref<1x128xi32, #tpu.memory_space<hbm>>
        %dma_wait3A_103 = tpu.memref_squeeze %dma_wait3A_102 : memref<1x128xi32, #tpu.memory_space<hbm>> -> memref<128xi32, #tpu.memory_space<hbm>>
        tpu.wait_dma2 semaphore(%run_scoped3A_91 : memref<!tpu.dma_semaphore, #tpu.memory_space<semaphore_mem>>) src(%dma_wait3A_103 : memref<128xi32, #tpu.memory_space<hbm>>) dst(%arg5 : memref<128xi32, #tpu.memory_space<vmem>>)
        tpu.yield
      }) : () -> ()
      %get3A = arith.constant 0 : index
      %get3A_8 = tpu.vector_load %arg5[%get3A] {strides = array<i32>} : memref<128xi32, #tpu.memory_space<vmem>>, vector<16xi32>,
      %get3A_9 = vector.shape_cast %get3A_8 : vector<16xi32> to vector<16xi32>
      %add3A_10 = arith.constant 20000 : i32
      %add3A_11 = vector.broadcast %add3A_10 : i32 to vector<16xi32>
      %add3A_12 = arith.addi %get3A_9, %add3A_11 : vector<16xi32>
      %swap3A = arith.constant 0 : index
      %swap3A_13 = tpu.vector_load %arg5[%swap3A] {strides = array<i32>} : memref<128xi32, #tpu.memory_space<vmem>>, vector<16xi32>,
      %swap3A_14 = vector.shape_cast %swap3A_13 : vector<16xi32> to vector<16xi32>
      %swap3A_15 = vector.shape_cast %add3A_12 : vector<16xi32> to vector<16xi32>
      tpu.vector_store %arg5[%swap3A], %swap3A_15 {strides = array<i32>} : memref<128xi32, #tpu.memory_space<vmem>>, vector<16xi32>,
      %get3A_16 = arith.constant 16 : index
      %get3A_17 = tpu.vector_load %arg5[%get3A_16] {strides = array<i32>} : memref<128xi32, #tpu.memory_space<vmem>>, vector<16xi32>,
      %get3A_18 = vector.shape_cast %get3A_17 : vector<16xi32> to vector<16xi32>
      %add3A_19 = arith.constant 20000 : i32
      %add3A_20 = vector.broadcast %add3A_19 : i32 to vector<16xi32>
      %add3A_21 = arith.addi %get3A_18, %add3A_20 : vector<16xi32>
      %swap3A_22 = arith.constant 16 : index
      %swap3A_23 = tpu.vector_load %arg5[%swap3A_22] {strides = array<i32>} : memref<128xi32, #tpu.memory_space<vmem>>, vector<16xi32>,
      %swap3A_24 = vector.shape_cast %swap3A_23 : vector<16xi32> to vector<16xi32>
      %swap3A_25 = vector.shape_cast %add3A_21 : vector<16xi32> to vector<16xi32>
      tpu.vector_store %arg5[%swap3A_22], %swap3A_25 {strides = array<i32>} : memref<128xi32, #tpu.memory_space<vmem>>, vector<16xi32>,
      %get3A_26 = arith.constant 32 : index
      %get3A_27 = tpu.vector_load %arg5[%get3A_26] {strides = array<i32>} : memref<128xi32, #tpu.memory_space<vmem>>, vector<16xi32>,
      %get3A_28 = vector.shape_cast %get3A_27 : vector<16xi32> to vector<16xi32>
      %add3A_29 = arith.constant 20000 : i32
      %add3A_30 = vector.broadcast %add3A_29 : i32 to vector<16xi32>
      %add3A_31 = arith.addi %get3A_28, %add3A_30 : vector<16xi32>
      %swap3A_32 = arith.constant 32 : index
      %swap3A_33 = tpu.vector_load %arg5[%swap3A_32] {strides = array<i32>} : memref<128xi32, #tpu.memory_space<vmem>>, vector<16xi32>,
      %swap3A_34 = vector.shape_cast %swap3A_33 : vector<16xi32> to vector<16xi32>
      %swap3A_35 = vector.shape_cast %add3A_31 : vector<16xi32> to vector<16xi32>
      tpu.vector_store %arg5[%swap3A_32], %swap3A_35 {strides = array<i32>} : memref<128xi32, #tpu.memory_space<vmem>>, vector<16xi32>,
      %get3A_36 = arith.constant 48 : index
      %get3A_37 = tpu.vector_load %arg5[%get3A_36] {strides = array<i32>} : memref<128xi32, #tpu.memory_space<vmem>>, vector<16xi32>,
      %get3A_38 = vector.shape_cast %get3A_37 : vector<16xi32> to vector<16xi32>
      %add3A_39 = arith.constant 20000 : i32
      %add3A_40 = vector.broadcast %add3A_39 : i32 to vector<16xi32>
      %add3A_41 = arith.addi %get3A_38, %add3A_40 : vector<16xi32>
      %swap3A_42 = arith.constant 48 : index
      %swap3A_43 = tpu.vector_load %arg5[%swap3A_42] {strides = array<i32>} : memref<128xi32, #tpu.memory_space<vmem>>, vector<16xi32>,
      %swap3A_44 = vector.shape_cast %swap3A_43 : vector<16xi32> to vector<16xi32>
      %swap3A_45 = vector.shape_cast %add3A_41 : vector<16xi32> to vector<16xi32>
      tpu.vector_store %arg5[%swap3A_42], %swap3A_45 {strides = array<i32>} : memref<128xi32, #tpu.memory_space<vmem>>, vector<16xi32>,
      %get3A_46 = arith.constant 64 : index
      %get3A_47 = tpu.vector_load %arg5[%get3A_46] {strides = array<i32>} : memref<128xi32, #tpu.memory_space<vmem>>, vector<16xi32>,
      %get3A_48 = vector.shape_cast %get3A_47 : vector<16xi32> to vector<16xi32>
      %add3A_49 = arith.constant 20000 : i32
      %add3A_50 = vector.broadcast %add3A_49 : i32 to vector<16xi32>
      %add3A_51 = arith.addi %get3A_48, %add3A_50 : vector<16xi32>
      %swap3A_52 = arith.constant 64 : index
      %swap3A_53 = tpu.vector_load %arg5[%swap3A_52] {strides = array<i32>} : memref<128xi32, #tpu.memory_space<vmem>>, vector<16xi32>,
      %swap3A_54 = vector.shape_cast %swap3A_53 : vector<16xi32> to vector<16xi32>
      %swap3A_55 = vector.shape_cast %add3A_51 : vector<16xi32> to vector<16xi32>
      tpu.vector_store %arg5[%swap3A_52], %swap3A_55 {strides = array<i32>} : memref<128xi32, #tpu.memory_space<vmem>>, vector<16xi32>,
      %get3A_56 = arith.constant 80 : index
      %get3A_57 = tpu.vector_load %arg5[%get3A_56] {strides = array<i32>} : memref<128xi32, #tpu.memory_space<vmem>>, vector<16xi32>,
      %get3A_58 = vector.shape_cast %get3A_57 : vector<16xi32> to vector<16xi32>
      %add3A_59 = arith.constant 20000 : i32
      %add3A_60 = vector.broadcast %add3A_59 : i32 to vector<16xi32>
      %add3A_61 = arith.addi %get3A_58, %add3A_60 : vector<16xi32>
      %swap3A_62 = arith.constant 80 : index
      %swap3A_63 = tpu.vector_load %arg5[%swap3A_62] {strides = array<i32>} : memref<128xi32, #tpu.memory_space<vmem>>, vector<16xi32>,
      %swap3A_64 = vector.shape_cast %swap3A_63 : vector<16xi32> to vector<16xi32>
      %swap3A_65 = vector.shape_cast %add3A_61 : vector<16xi32> to vector<16xi32>
      tpu.vector_store %arg5[%swap3A_62], %swap3A_65 {strides = array<i32>} : memref<128xi32, #tpu.memory_space<vmem>>, vector<16xi32>,
      %get3A_66 = arith.constant 96 : index
      %get3A_67 = tpu.vector_load %arg5[%get3A_66] {strides = array<i32>} : memref<128xi32, #tpu.memory_space<vmem>>, vector<16xi32>,
      %get3A_68 = vector.shape_cast %get3A_67 : vector<16xi32> to vector<16xi32>
      %add3A_69 = arith.constant 20000 : i32
      %add3A_70 = vector.broadcast %add3A_69 : i32 to vector<16xi32>
      %add3A_71 = arith.addi %get3A_68, %add3A_70 : vector<16xi32>
      %swap3A_72 = arith.constant 96 : index
      %swap3A_73 = tpu.vector_load %arg5[%swap3A_72] {strides = array<i32>} : memref<128xi32, #tpu.memory_space<vmem>>, vector<16xi32>,
      %swap3A_74 = vector.shape_cast %swap3A_73 : vector<16xi32> to vector<16xi32>
      %swap3A_75 = vector.shape_cast %add3A_71 : vector<16xi32> to vector<16xi32>
      tpu.vector_store %arg5[%swap3A_72], %swap3A_75 {strides = array<i32>} : memref<128xi32, #tpu.memory_space<vmem>>, vector<16xi32>,
      %get3A_76 = arith.constant 112 : index
      %get3A_77 = tpu.vector_load %arg5[%get3A_76] {strides = array<i32>} : memref<128xi32, #tpu.memory_space<vmem>>, vector<16xi32>,
      %get3A_78 = vector.shape_cast %get3A_77 : vector<16xi32> to vector<16xi32>
      %add3A_79 = arith.constant 20000 : i32
      %add3A_80 = vector.broadcast %add3A_79 : i32 to vector<16xi32>
      %add3A_81 = arith.addi %get3A_78, %add3A_80 : vector<16xi32>
      %swap3A_82 = arith.constant 112 : index
      %swap3A_83 = tpu.vector_load %arg5[%swap3A_82] {strides = array<i32>} : memref<128xi32, #tpu.memory_space<vmem>>, vector<16xi32>,
      %swap3A_84 = vector.shape_cast %swap3A_83 : vector<16xi32> to vector<16xi32>
      %swap3A_85 = vector.shape_cast %add3A_81 : vector<16xi32> to vector<16xi32>
      tpu.vector_store %arg5[%swap3A_82], %swap3A_85 {strides = array<i32>} : memref<128xi32, #tpu.memory_space<vmem>>, vector<16xi32>,
      %dma_start3A = arith.constant 0 : i32
      %dma_start3A_86 = arith.constant 0 : i32
      %dma_start3A_87 = tpu.memref_slice %arg3[%dma_start3A, %dma_start3A_86] : memref<40000x128xf32, #tpu.memory_space<hbm>> -> memref<40000x128xf32, #tpu.memory_space<hbm>>
      tpu.enqueue_indirect_dma source(%dma_start3A_87 : memref<40000x128xf32, #tpu.memory_space<hbm>>) target(%arg6 : memref<128x128xf32, #tpu.memory_space<vmem>>) offsets(%arg5 : memref<128xi32, #tpu.memory_space<vmem>>) semaphore(%arg7 : memref<!tpu.dma_semaphore, #tpu.memory_space<semaphore_mem>>)
      %dma_wait3A = arith.constant 0 : i32
      %dma_wait3A_88 = arith.constant 0 : i32
      %dma_wait3A_89 = tpu.memref_slice %arg3[%dma_wait3A, %dma_wait3A_88] : memref<40000x128xf32, #tpu.memory_space<hbm>> -> memref<40000x128xf32, #tpu.memory_space<hbm>>
      tpu.wait_indirect_dma semaphore(%arg7 : memref<!tpu.dma_semaphore, #tpu.memory_space<semaphore_mem>>) src(%dma_wait3A_89 : memref<40000x128xf32, #tpu.memory_space<hbm>>) dst(%arg6 : memref<128x128xf32, #tpu.memory_space<vmem>>)
      %run_scoped3A_90 = arith.constant 1 : i32
      "tpu.region"() ({
        %run_scoped3A_91 = tpu.sem_alloc : memref<!tpu.dma_semaphore, #tpu.memory_space<semaphore_mem>>
        %dma_start3A_92 = arith.constant 0 : i32
        %dma_start3A_93 = arith.constant 0 : i32
        %dma_start3A_94 = tpu.memref_slice %arg4[%run_scoped3A_90, %dma_start3A_92, %dma_start3A_93] : memref<2x128x128xf32, #tpu.memory_space<hbm>> -> memref<1x128x128xf32, #tpu.memory_space<hbm>>
        %dma_start3A_95 = tpu.memref_squeeze %dma_start3A_94 : memref<1x128x128xf32, #tpu.memory_space<hbm>> -> memref<128x128xf32, #tpu.memory_space<hbm>>
        %dma_start3A_96 = arith.constant 0 : i32
        %dma_start3A_97 = arith.constant 0 : i32
        %dma_start3A_98 = tpu.memref_slice %arg4[%run_scoped3A_90, %dma_start3A_96, %dma_start3A_97] : memref<2x128x128xf32, #tpu.memory_space<hbm>> -> memref<1x128x128xf32, #tpu.memory_space<hbm>>
        %dma_start3A_99 = tpu.memref_squeeze %dma_start3A_98 : memref<1x128x128xf32, #tpu.memory_space<hbm>> -> memref<128x128xf32, #tpu.memory_space<hbm>>
        tpu.enqueue_dma source(%arg6 : memref<128x128xf32, #tpu.memory_space<vmem>>) target(%dma_start3A_99 : memref<128x128xf32, #tpu.memory_space<hbm>>) target_semaphore(%run_scoped3A_91 : memref<!tpu.dma_semaphore, #tpu.memory_space<semaphore_mem>>)
        %dma_wait3A_100 = arith.constant 0 : i32
        %dma_wait3A_101 = arith.constant 0 : i32
        %dma_wait3A_102 = tpu.memref_slice %arg4[%run_scoped3A_90, %dma_wait3A_100, %dma_wait3A_101] : memref<2x128x128xf32, #tpu.memory_space<hbm>> -> memref<1x128x128xf32, #tpu.memory_space<hbm>>
        %dma_wait3A_103 = tpu.memref_squeeze %dma_wait3A_102 : memref<1x128x128xf32, #tpu.memory_space<hbm>> -> memref<128x128xf32, #tpu.memory_space<hbm>>
        %dma_wait3A_104 = arith.constant 0 : i32
        %dma_wait3A_105 = arith.constant 0 : i32
        %dma_wait3A_106 = tpu.memref_slice %arg4[%run_scoped3A_90, %dma_wait3A_104, %dma_wait3A_105] : memref<2x128x128xf32, #tpu.memory_space<hbm>> -> memref<1x128x128xf32, #tpu.memory_space<hbm>>
        %dma_wait3A_107 = tpu.memref_squeeze %dma_wait3A_106 : memref<1x128x128xf32, #tpu.memory_space<hbm>> -> memref<128x128xf32, #tpu.memory_space<hbm>>
        tpu.wait_dma2 semaphore(%run_scoped3A_91 : memref<!tpu.dma_semaphore, #tpu.memory_space<semaphore_mem>>) src(%arg6 : memref<128x128xf32, #tpu.memory_space<vmem>>) dst(%dma_wait3A_107 : memref<128x128xf32, #tpu.memory_space<hbm>>)
        tpu.yield
      }) : () -> ()
    } else {
    }
    return
  }
}

module attributes {stable_mosaic.version = 14 : i64} {
  func.func @_k0_body(%arg0: i32, %arg1: memref<1x160x128xf32, #tpu.memory_space<vmem>>, %arg2: memref<1x160x128xf32, #tpu.memory_space<vmem>>, %arg3: memref<1x1x128xi32, #tpu.memory_space<vmem>>, %arg4: memref<1x1x128xf32, #tpu.memory_space<vmem>>) attributes {dimension_semantics = [#tpu.dimension_semantics<arbitrary>], iteration_bounds = array<i64: 2>, scalar_prefetch = 0 : i64, scratch_operands = 0 : i64, tpu.core_type = #tpu.core_type<tc>, window_params = [{transform_indices = @transform_0, window_bounds = array<i64: 1, 160, 128>}, {transform_indices = @transform_1, window_bounds = array<i64: 1, 160, 128>}, {transform_indices = @transform_2, window_bounds = array<i64: 1, 1, 128>}, {transform_indices = @transform_3, window_bounds = array<i64: 1, 1, 128>}]} {
    %get3A = arith.constant 0 : index
    %get3A_0 = arith.constant 0 : index
    %get3A_1 = arith.constant 0 : index
    %get3A_2 = vector.load %arg1[%get3A, %get3A_0, %get3A_1] : memref<1x160x128xf32, #tpu.memory_space<vmem>>, vector<1x160x128xf32>
    %get3A_3 = vector.shape_cast %get3A_2 : vector<1x160x128xf32> to vector<160x128xf32>
    %get3A_4 = arith.constant 0 : index
    %get3A_5 = arith.constant 0 : index
    %get3A_6 = arith.constant 0 : index
    %get3A_7 = vector.load %arg2[%get3A_4, %get3A_5, %get3A_6] : memref<1x160x128xf32, #tpu.memory_space<vmem>>, vector<1x160x128xf32>
    %get3A_8 = vector.shape_cast %get3A_7 : vector<1x160x128xf32> to vector<160x128xf32>
    %max3A = arith.maximumf %get3A_3, %get3A_8 : vector<160x128xf32>
    %sub3A = arith.subf %get3A_3, %max3A : vector<160x128xf32>
    %exp3A = math.exp %sub3A : vector<160x128xf32>
    %sub3A_9 = arith.subf %get3A_8, %max3A : vector<160x128xf32>
    %exp3A_10 = math.exp %sub3A_9 : vector<160x128xf32>
    %add3A = arith.addf %exp3A, %exp3A_10 : vector<160x128xf32>
    %div3A = arith.divf %exp3A_10, %add3A : vector<160x128xf32>
    %iota3A = tpu.iota {dimensions = array<i32: 0>} : vector<160x128xi32>
    %mul3A = arith.constant 128 : i32
    %mul3A_11 = vector.broadcast %mul3A : i32 to vector<160x128xi32>
    %mul3A_12 = arith.muli %iota3A, %mul3A_11 : vector<160x128xi32>
    %iota3A_13 = tpu.iota {dimensions = array<i32: 1>} : vector<160x128xi32>
    %add3A_14 = arith.addi %mul3A_12, %iota3A_13 : vector<160x128xi32>
    %lt3A = arith.constant 20000 : i32
    %lt3A_15 = vector.broadcast %lt3A : i32 to vector<160x128xi32>
    %lt3A_16 = arith.cmpi slt, %add3A_14, %lt3A_15 : vector<160x128xi32>
    %jit3A = arith.constant -1.000000e+00 : f32
    %broadcast_in_dim3A = vector.broadcast %jit3A : f32 to vector<160x128xf32>
    %select_n3A = arith.select %lt3A_16, %div3A, %broadcast_in_dim3A : vector<160x128xi1>, vector<160x128xf32>
    %iota3A_17 = tpu.iota {dimensions = array<i32: 1>} : vector<1x128xi32>
    %broadcast_in_dim3A_18 = arith.constant 0 : i32
    %broadcast_in_dim3A_19 = vector.broadcast %broadcast_in_dim3A_18 : i32 to vector<1x128xi32>
    %broadcast_in_dim3A_20 = arith.constant -1.000000e+00 : f32
    %broadcast_in_dim3A_21 = vector.broadcast %broadcast_in_dim3A_20 : f32 to vector<1x128xf32>
    %scan3A = arith.constant 0 : i32
    %scan3A_22 = arith.constant 100 : i32
    %scan3A_23 = arith.addi %scan3A, %scan3A_22 : i32
    %scan3A_24 = arith.constant 1 : i32
    %scan3A_25:3 = scf.for %scan3A_38 = %scan3A to %scan3A_23 step %scan3A_24 iter_args(%scan3A_39 = %select_n3A, %scan3A_40 = %broadcast_in_dim3A_19, %scan3A_41 = %broadcast_in_dim3A_21) -> (vector<160x128xf32>, vector<1x128xi32>, vector<1x128xf32>)  : i32 {
      %reduce_max3A = vector.shape_cast %scan3A_39 : vector<160x128xf32> to vector<1x160x128xf32>
      %reduce_max3A_42 = arith.constant dense<0xFF800000> : vector<1xf32>
      %reduce_max3A_43 = vector.multi_reduction <maximumf>, %reduce_max3A, %reduce_max3A_42 [1, 2] : vector<1x160x128xf32> to vector<1xf32>
      %reduce_max3A_44 = vector.shape_cast %reduce_max3A_43 : vector<1xf32> to vector<1x1x1xf32>
      %reduce_max3A_45 = vector.extract %reduce_max3A_44[0, 0, 0] : f32 from vector<1x1x1xf32>
      %eq3A = vector.broadcast %reduce_max3A_45 : f32 to vector<160x128xf32>
      %eq3A_46 = arith.cmpf oeq, %scan3A_39, %eq3A : vector<160x128xf32>
      %jit3A_47 = arith.constant 1073741824 : i32
      %broadcast_in_dim3A_48 = vector.broadcast %jit3A_47 : i32 to vector<160x128xi32>
      %select_n3A_49 = arith.select %eq3A_46, %add3A_14, %broadcast_in_dim3A_48 : vector<160x128xi1>, vector<160x128xi32>
      %reduce_min3A = vector.shape_cast %select_n3A_49 : vector<160x128xi32> to vector<1x160x128xi32>
      %reduce_min3A_50 = arith.constant dense<2147483647> : vector<1xi32>
      %reduce_min3A_51 = vector.multi_reduction <minsi>, %reduce_min3A, %reduce_min3A_50 [1, 2] : vector<1x160x128xi32> to vector<1xi32>
      %reduce_min3A_52 = vector.shape_cast %reduce_min3A_51 : vector<1xi32> to vector<1x1x1xi32>
      %reduce_min3A_53 = vector.extract %reduce_min3A_52[0, 0, 0] : i32 from vector<1x1x1xi32>
      %eq3A_54 = vector.broadcast %scan3A_38 : i32 to vector<1x128xi32>
      %eq3A_55 = arith.cmpi eq, %iota3A_17, %eq3A_54 : vector<1x128xi32>
      %broadcast_in_dim3A_56 = vector.broadcast %reduce_max3A_45 : f32 to vector<1x128xf32>
      %select_n3A_57 = arith.select %eq3A_55, %broadcast_in_dim3A_56, %scan3A_41 : vector<1x128xi1>, vector<1x128xf32>
      %eq3A_58 = vector.broadcast %scan3A_38 : i32 to vector<1x128xi32>
      %eq3A_59 = arith.cmpi eq, %iota3A_17, %eq3A_58 : vector<1x128xi32>
      %broadcast_in_dim3A_60 = vector.broadcast %reduce_min3A_53 : i32 to vector<1x128xi32>
      %select_n3A_61 = arith.select %eq3A_59, %broadcast_in_dim3A_60, %scan3A_40 : vector<1x128xi1>, vector<1x128xi32>
      %eq3A_62 = vector.broadcast %reduce_min3A_53 : i32 to vector<160x128xi32>
      %eq3A_63 = arith.cmpi eq, %add3A_14, %eq3A_62 : vector<160x128xi32>
      %jit3A_64 = arith.constant -2.000000e+00 : f32
      %broadcast_in_dim3A_65 = vector.broadcast %jit3A_64 : f32 to vector<160x128xf32>
      %select_n3A_66 = arith.select %eq3A_63, %broadcast_in_dim3A_65, %scan3A_39 : vector<160x128xi1>, vector<160x128xf32>
      scf.yield %select_n3A_66, %select_n3A_61, %select_n3A_57 : vector<160x128xf32>, vector<1x128xi32>, vector<1x128xf32>
    }
    %scan3A_26 = arith.constant 100 : i32
    %swap3A = arith.constant 0 : index
    %swap3A_27 = arith.constant 0 : index
    %swap3A_28 = arith.constant 0 : index
    %swap3A_29 = vector.load %arg3[%swap3A, %swap3A_27, %swap3A_28] : memref<1x1x128xi32, #tpu.memory_space<vmem>>, vector<1x1x128xi32>
    %swap3A_30 = vector.shape_cast %swap3A_29 : vector<1x1x128xi32> to vector<1x128xi32>
    %swap3A_31 = vector.shape_cast %scan3A_25#1 : vector<1x128xi32> to vector<1x1x128xi32>
    tpu.vector_store %arg3[%swap3A, %swap3A_27, %swap3A_28], %swap3A_31 {strides = array<i32>} : memref<1x1x128xi32, #tpu.memory_space<vmem>>, vector<1x1x128xi32>,
    %swap3A_32 = arith.constant 0 : index
    %swap3A_33 = arith.constant 0 : index
    %swap3A_34 = arith.constant 0 : index
    %swap3A_35 = vector.load %arg4[%swap3A_32, %swap3A_33, %swap3A_34] : memref<1x1x128xf32, #tpu.memory_space<vmem>>, vector<1x1x128xf32>
    %swap3A_36 = vector.shape_cast %swap3A_35 : vector<1x1x128xf32> to vector<1x128xf32>
    %swap3A_37 = vector.shape_cast %scan3A_25#2 : vector<1x128xf32> to vector<1x1x128xf32>
    tpu.vector_store %arg4[%swap3A_32, %swap3A_33, %swap3A_34], %swap3A_37 {strides = array<i32>} : memref<1x1x128xf32, #tpu.memory_space<vmem>>, vector<1x1x128xf32>,
    return
  }
  func.func @transform_0(%arg0: i32) -> (i32, i32, i32) {
    %c0_i32 = arith.constant 0 : i32
    %c0_i32_0 = arith.constant 0 : i32
    %c0_i32_1 = arith.constant 0 : i32
    return %arg0, %c0_i32, %c0_i32_0 : i32, i32, i32
  }
  func.func @transform_1(%arg0: i32) -> (i32, i32, i32) {
    %c0_i32 = arith.constant 0 : i32
    %c0_i32_0 = arith.constant 0 : i32
    %c0_i32_1 = arith.constant 0 : i32
    return %arg0, %c0_i32, %c0_i32_0 : i32, i32, i32
  }
  func.func @transform_2(%arg0: i32) -> (i32, i32, i32) {
    %c0_i32 = arith.constant 0 : i32
    %c0_i32_0 = arith.constant 0 : i32
    %c0_i32_1 = arith.constant 0 : i32
    return %arg0, %c0_i32, %c0_i32_0 : i32, i32, i32
  }
  func.func @transform_3(%arg0: i32) -> (i32, i32, i32) {
    %c0_i32 = arith.constant 0 : i32
    %c0_i32_0 = arith.constant 0 : i32
    %c0_i32_1 = arith.constant 0 : i32
    return %arg0, %c0_i32, %c0_i32_0 : i32, i32, i32
  }
}

module attributes {stable_mosaic.version = 14 : i64} {
  func.func @_k1b_body(%arg0: i32, %arg1: memref<1x128x128xf32, #tpu.memory_space<vmem>>, %arg2: memref<1x1x128xf32, #tpu.memory_space<vmem>>, %arg3: memref<1x50x36xf32, #tpu.memory_space<vmem>>, %arg4: memref<1x50x8xf32, #tpu.memory_space<vmem>>, %arg5: memref<100x1xf32, #tpu.memory_space<vmem>>, %arg6: memref<100x256xf32, #tpu.memory_space<vmem>>, %arg7: memref<100x100xf32, #tpu.memory_space<vmem>>, %arg8: memref<100x1xf32, #tpu.memory_space<vmem>>, %arg9: memref<100x1xf32, #tpu.memory_space<vmem>>) attributes {dimension_semantics = [#tpu.dimension_semantics<arbitrary>], iteration_bounds = array<i64: 2>, scalar_prefetch = 0 : i64, scratch_operands = 5 : i64, tpu.core_type = #tpu.core_type<tc>, window_params = [{transform_indices = @transform_0, window_bounds = array<i64: 1, 128, 128>}, {transform_indices = @transform_1, window_bounds = array<i64: 1, 1, 128>}, {transform_indices = @transform_2, window_bounds = array<i64: 1, 50, 36>}, {transform_indices = @transform_3, window_bounds = array<i64: 1, 50, 8>}]} {
    %get3A = arith.constant 0 : index
    %get3A_0 = arith.constant 0 : index
    %get3A_1 = arith.constant 0 : index
    %get3A_2 = vector.load %arg1[%get3A, %get3A_0, %get3A_1] : memref<1x128x128xf32, #tpu.memory_space<vmem>>, vector<1x128x128xf32>
    %get3A_3 = vector.shape_cast %get3A_2 : vector<1x128x128xf32> to vector<128x128xf32>
    %slice3A = vector.extract_strided_slice %get3A_3 {offsets = [0, 0], sizes = [100, 36], strides = [1, 1]} : vector<128x128xf32> to vector<100x36xf32>
    %get3A_4 = arith.constant 0 : index
    %get3A_5 = arith.constant 0 : index
    %get3A_6 = arith.constant 0 : index
    %get3A_7 = vector.load %arg2[%get3A_4, %get3A_5, %get3A_6] : memref<1x1x128xf32, #tpu.memory_space<vmem>>, vector<1x1x128xf32>
    %get3A_8 = vector.shape_cast %get3A_7 : vector<1x1x128xf32> to vector<1x128xf32>
    %iota3A = tpu.iota {dimensions = array<i32: 0>} : vector<100x128xi32>
    %iota3A_9 = tpu.iota {dimensions = array<i32: 1>} : vector<100x128xi32>
    %eq3A = arith.cmpi eq, %iota3A, %iota3A_9 : vector<100x128xi32>
    %convert_element_type3A = arith.extui %eq3A : vector<100x128xi1> to vector<100x128xi32>
    %convert_element_type3A_10 = arith.sitofp %convert_element_type3A : vector<100x128xi32> to vector<100x128xf32>
    %dot_general3A = arith.constant dense<0.000000e+00> : vector<100x1xf32>
    %dot_general3A_11 = tpu.matmul %convert_element_type3A_10, %get3A_8, %dot_general3A {dimension_numbers = #tpu.dot_dimension_numbers<[1], [1], [0], [0], [0, 0, 1, 0], [], []>, precision = #tpu.contract_precision<fp32>, transpose_lhs_hint = false} : vector<100x128xf32>, vector<1x128xf32>, vector<100x1xf32> -> vector<100x1xf32>
    %swap3A = arith.constant 0 : index
    %swap3A_12 = arith.constant 0 : index
    %swap3A_13 = vector.load %arg5[%swap3A, %swap3A_12] : memref<100x1xf32, #tpu.memory_space<vmem>>, vector<100x1xf32>
    tpu.vector_store %arg5[%swap3A, %swap3A_12], %dot_general3A_11 {strides = array<i32>} : memref<100x1xf32, #tpu.memory_space<vmem>>, vector<100x1xf32>,
    %slice3A_14 = vector.extract_strided_slice %get3A_8 {offsets = [0, 0], sizes = [1, 100], strides = [1, 1]} : vector<1x128xf32> to vector<1x100xf32>
    %slice3A_15 = vector.extract_strided_slice %slice3A {offsets = [0, 0], sizes = [100, 1], strides = [1, 1]} : vector<100x36xf32> to vector<100x1xf32>
    %slice3A_16 = vector.extract_strided_slice %slice3A {offsets = [0, 1], sizes = [100, 1], strides = [1, 1]} : vector<100x36xf32> to vector<100x1xf32>
    %slice3A_17 = vector.extract_strided_slice %slice3A {offsets = [0, 2], sizes = [100, 1], strides = [1, 1]} : vector<100x36xf32> to vector<100x1xf32>
    %mul3A = arith.constant 5.000000e-01 : f32
    %mul3A_18 = vector.broadcast %mul3A : f32 to vector<100x1xf32>
    %mul3A_19 = arith.mulf %slice3A_17, %mul3A_18 : vector<100x1xf32>
    %add3A = arith.constant 0.00999999977 : f32
    %add3A_20 = vector.broadcast %add3A : f32 to vector<100x1xf32>
    %add3A_21 = arith.addf %mul3A_19, %add3A_20 : vector<100x1xf32>
    %slice3A_22 = vector.extract_strided_slice %slice3A {offsets = [0, 3], sizes = [100, 1], strides = [1, 1]} : vector<100x36xf32> to vector<100x1xf32>
    %mul3A_23 = arith.constant 5.000000e-01 : f32
    %mul3A_24 = vector.broadcast %mul3A_23 : f32 to vector<100x1xf32>
    %mul3A_25 = arith.mulf %slice3A_22, %mul3A_24 : vector<100x1xf32>
    %add3A_26 = arith.constant 0.00999999977 : f32
    %add3A_27 = vector.broadcast %add3A_26 : f32 to vector<100x1xf32>
    %add3A_28 = arith.addf %mul3A_25, %add3A_27 : vector<100x1xf32>
    %iota3A_29 = tpu.iota {dimensions = array<i32: 1>} : vector<1x256xi32>
    %jit3A = arith.constant 16 : i32
    %eq3A_30 = arith.constant 0 : i32
    %eq3A_31 = arith.cmpi eq, %jit3A, %eq3A_30 : i32
    %jit3A_32 = arith.constant 1 : i32
    %select_n3A = arith.select %eq3A_31, %jit3A_32, %jit3A : i32
    %rem3A = vector.broadcast %select_n3A : i32 to vector<1x256xi32>
    %rem3A_33 = arith.remsi %iota3A_29, %rem3A : vector<1x256xi32>
    %ne3A = arith.constant 0 : i32
    %ne3A_34 = vector.broadcast %ne3A : i32 to vector<1x256xi32>
    %ne3A_35 = arith.cmpi ne, %rem3A_33, %ne3A_34 : vector<1x256xi32>
    %lt3A = arith.constant 0 : i32
    %lt3A_36 = vector.broadcast %lt3A : i32 to vector<1x256xi32>
    %lt3A_37 = arith.cmpi slt, %rem3A_33, %lt3A_36 : vector<1x256xi32>
    %lt3A_38 = arith.constant 0 : i32
    %lt3A_39 = arith.cmpi slt, %select_n3A, %lt3A_38 : i32
    %ne3A_40 = vector.broadcast %lt3A_39 : i1 to vector<1x256xi1>
    %ne3A_41 = vector.broadcast %ne3A_40 : vector<1x256xi1> to vector<1x256xi1>
    %ne3A_42 = arith.xori %lt3A_37, %ne3A_41 : vector<1x256xi1>
    %and3A = arith.andi %ne3A_42, %ne3A_35 : vector<1x256xi1>
    %add3A_43 = vector.broadcast %select_n3A : i32 to vector<1x256xi32>
    %add3A_44 = arith.addi %rem3A_33, %add3A_43 : vector<1x256xi32>
    %select_n3A_45 = arith.select %and3A, %add3A_44, %rem3A_33 : vector<1x256xi1>, vector<1x256xi32>
    %convert_element_type3A_46 = arith.sitofp %select_n3A_45 : vector<1x256xi32> to vector<1x256xf32>
    %add3A_47 = arith.constant 5.000000e-01 : f32
    %add3A_48 = vector.broadcast %add3A_47 : f32 to vector<1x256xf32>
    %add3A_49 = arith.addf %convert_element_type3A_46, %add3A_48 : vector<1x256xf32>
    %div3A = arith.constant 1.600000e+01 : f32
    %div3A_50 = vector.broadcast %div3A : f32 to vector<1x256xf32>
    %div3A_51 = arith.divf %add3A_49, %div3A_50 : vector<1x256xf32>
    %jit3A_52 = arith.constant 16 : i32
    %div3A_53 = vector.broadcast %jit3A_52 : i32 to vector<1x256xi32>
    %div3A_54 = arith.divsi %iota3A_29, %div3A_53 : vector<1x256xi32>
    %sign3A = arith.constant 0 : i32
    %sign3A_55 = vector.broadcast %sign3A : i32 to vector<1x256xi32>
    %sign3A_56 = arith.cmpi sgt, %iota3A_29, %sign3A_55 : vector<1x256xi32>
    %sign3A_57 = arith.extui %sign3A_56 : vector<1x256xi1> to vector<1x256xi32>
    %sign3A_58 = arith.constant 0 : i32
    %sign3A_59 = vector.broadcast %sign3A_58 : i32 to vector<1x256xi32>
    %sign3A_60 = arith.cmpi slt, %iota3A_29, %sign3A_59 : vector<1x256xi32>
    %sign3A_61 = arith.extui %sign3A_60 : vector<1x256xi1> to vector<1x256xi32>
    %sign3A_62 = arith.subi %sign3A_57, %sign3A_61 : vector<1x256xi32>
    %sign3A_63 = arith.constant 0 : i32
    %sign3A_64 = arith.cmpi sgt, %jit3A_52, %sign3A_63 : i32
    %sign3A_65 = arith.extui %sign3A_64 : i1 to i32
    %sign3A_66 = arith.constant 0 : i32
    %sign3A_67 = arith.cmpi slt, %jit3A_52, %sign3A_66 : i32
    %sign3A_68 = arith.extui %sign3A_67 : i1 to i32
    %sign3A_69 = arith.subi %sign3A_65, %sign3A_68 : i32
    %ne3A_70 = vector.broadcast %sign3A_69 : i32 to vector<1x256xi32>
    %ne3A_71 = arith.cmpi ne, %sign3A_62, %ne3A_70 : vector<1x256xi32>
    %rem3A_72 = vector.broadcast %jit3A_52 : i32 to vector<1x256xi32>
    %rem3A_73 = arith.remsi %iota3A_29, %rem3A_72 : vector<1x256xi32>
    %ne3A_74 = arith.constant 0 : i32
    %ne3A_75 = vector.broadcast %ne3A_74 : i32 to vector<1x256xi32>
    %ne3A_76 = arith.cmpi ne, %rem3A_73, %ne3A_75 : vector<1x256xi32>
    %and3A_77 = arith.andi %ne3A_71, %ne3A_76 : vector<1x256xi1>
    %sub3A = arith.constant 1 : i32
    %sub3A_78 = vector.broadcast %sub3A : i32 to vector<1x256xi32>
    %sub3A_79 = arith.subi %div3A_54, %sub3A_78 : vector<1x256xi32>
    %select_n3A_80 = arith.select %and3A_77, %sub3A_79, %div3A_54 : vector<1x256xi1>, vector<1x256xi32>
    %convert_element_type3A_81 = arith.sitofp %select_n3A_80 : vector<1x256xi32> to vector<1x256xf32>
    %add3A_82 = arith.constant 5.000000e-01 : f32
    %add3A_83 = vector.broadcast %add3A_82 : f32 to vector<1x256xf32>
    %add3A_84 = arith.addf %convert_element_type3A_81, %add3A_83 : vector<1x256xf32>
    %div3A_85 = arith.constant 1.600000e+01 : f32
    %div3A_86 = vector.broadcast %div3A_85 : f32 to vector<1x256xf32>
    %div3A_87 = arith.divf %add3A_84, %div3A_86 : vector<1x256xf32>
    %sub3A_88 = vector.broadcast %div3A_51 : vector<1x256xf32> to vector<100x256xf32>
    %sub3A_89 = vector.broadcast %slice3A_15 : vector<100x1xf32> to vector<100x256xf32>
    %sub3A_90 = arith.subf %sub3A_88, %sub3A_89 : vector<100x256xf32>
    %integer_pow3A = arith.mulf %sub3A_90, %sub3A_90 : vector<100x256xf32>
    %mul3A_91 = arith.constant 2.000000e+00 : f32
    %mul3A_92 = vector.broadcast %mul3A_91 : f32 to vector<100x1xf32>
    %mul3A_93 = arith.mulf %mul3A_92, %add3A_21 : vector<100x1xf32>
    %mul3A_94 = arith.mulf %mul3A_93, %add3A_21 : vector<100x1xf32>
    %div3A_95 = vector.broadcast %mul3A_94 : vector<100x1xf32> to vector<100x256xf32>
    %div3A_96 = arith.divf %integer_pow3A, %div3A_95 : vector<100x256xf32>
    %sub3A_97 = vector.broadcast %div3A_87 : vector<1x256xf32> to vector<100x256xf32>
    %sub3A_98 = vector.broadcast %slice3A_16 : vector<100x1xf32> to vector<100x256xf32>
    %sub3A_99 = arith.subf %sub3A_97, %sub3A_98 : vector<100x256xf32>
    %integer_pow3A_100 = arith.mulf %sub3A_99, %sub3A_99 : vector<100x256xf32>
    %mul3A_101 = arith.constant 2.000000e+00 : f32
    %mul3A_102 = vector.broadcast %mul3A_101 : f32 to vector<100x1xf32>
    %mul3A_103 = arith.mulf %mul3A_102, %add3A_28 : vector<100x1xf32>
    %mul3A_104 = arith.mulf %mul3A_103, %add3A_28 : vector<100x1xf32>
    %div3A_105 = vector.broadcast %mul3A_104 : vector<100x1xf32> to vector<100x256xf32>
    %div3A_106 = arith.divf %integer_pow3A_100, %div3A_105 : vector<100x256xf32>
    %add3A_107 = arith.addf %div3A_96, %div3A_106 : vector<100x256xf32>
    %neg3A = arith.constant 0.000000e+00 : f32
    %neg3A_108 = vector.broadcast %neg3A : f32 to vector<100x256xf32>
    %neg3A_109 = arith.subf %neg3A_108, %add3A_107 : vector<100x256xf32>
    %exp3A = math.exp %neg3A_109 : vector<100x256xf32>
    %swap3A_110 = arith.constant 0 : index
    %swap3A_111 = arith.constant 0 : index
    %swap3A_112 = vector.load %arg6[%swap3A_110, %swap3A_111] : memref<100x256xf32, #tpu.memory_space<vmem>>, vector<100x256xf32>
    tpu.vector_store %arg6[%swap3A_110, %swap3A_111], %exp3A {strides = array<i32>} : memref<100x256xf32, #tpu.memory_space<vmem>>, vector<100x256xf32>,
    %broadcast_in_dim3A = arith.constant 1.000000e+00 : f32
    %broadcast_in_dim3A_113 = vector.broadcast %broadcast_in_dim3A : f32 to vector<1x256xf32>
    %dot_general3A_114 = arith.constant dense<0.000000e+00> : vector<100x1xf32>
    %dot_general3A_115 = tpu.matmul %exp3A, %broadcast_in_dim3A_113, %dot_general3A_114 {dimension_numbers = #tpu.dot_dimension_numbers<[1], [1], [0], [0], [0, 0, 1, 0], [], []>, precision = #tpu.contract_precision<fp32>, transpose_lhs_hint = false} : vector<100x256xf32>, vector<1x256xf32>, vector<100x1xf32> -> vector<100x1xf32>
    %dot_general3A_116 = arith.constant dense<0.000000e+00> : vector<1x100xf32>
    %dot_general3A_117 = tpu.matmul %broadcast_in_dim3A_113, %exp3A, %dot_general3A_116 {dimension_numbers = #tpu.dot_dimension_numbers<[1], [1], [0], [0], [0, 0, 1, 0], [], []>, precision = #tpu.contract_precision<fp32>, transpose_lhs_hint = false} : vector<1x256xf32>, vector<100x256xf32>, vector<1x100xf32> -> vector<1x100xf32>
    %swap3A_118 = arith.constant 0 : index
    %swap3A_119 = arith.constant 0 : index
    %swap3A_120 = vector.load %arg9[%swap3A_118, %swap3A_119] : memref<100x1xf32, #tpu.memory_space<vmem>>, vector<100x1xf32>
    tpu.vector_store %arg9[%swap3A_118, %swap3A_119], %dot_general3A_115 {strides = array<i32>} : memref<100x1xf32, #tpu.memory_space<vmem>>, vector<100x1xf32>,
    %scan3A = arith.constant 0 : i32
    %scan3A_121 = arith.constant 100 : i32
    %scan3A_122 = arith.addi %scan3A, %scan3A_121 : i32
    %scan3A_123 = arith.constant 1 : i32
    scf.for %scan3A_154 = %scan3A to %scan3A_122 step %scan3A_123  : i32 {
      %get3A_155 = arith.index_cast %scan3A_154 : i32 to index
      %get3A_156 = arith.constant 0 : index
      %get3A_157 = vector.load %arg6[%get3A_155, %get3A_156] : memref<100x256xf32, #tpu.memory_space<vmem>>, vector<1x256xf32>
      %get3A_158 = arith.index_cast %scan3A_154 : i32 to index
      %get3A_159 = arith.constant 0 : index
      %get3A_160 = vector.load %arg9[%get3A_158, %get3A_159] : memref<100x1xf32, #tpu.memory_space<vmem>>, vector<1x1xf32>
      %min3A = vector.broadcast %get3A_157 : vector<1x256xf32> to vector<100x256xf32>
      %min3A_161 = arith.minimumf %exp3A, %min3A : vector<100x256xf32>
      %dot_general3A_162 = arith.constant dense<0.000000e+00> : vector<1x100xf32>
      %dot_general3A_163 = tpu.matmul %broadcast_in_dim3A_113, %min3A_161, %dot_general3A_162 {dimension_numbers = #tpu.dot_dimension_numbers<[1], [1], [0], [0], [0, 0, 1, 0], [], []>, precision = #tpu.contract_precision<fp32>, transpose_lhs_hint = false} : vector<1x256xf32>, vector<100x256xf32>, vector<1x100xf32> -> vector<1x100xf32>
      %add3A_164 = vector.broadcast %get3A_160 : vector<1x1xf32> to vector<1x100xf32>
      %add3A_165 = arith.addf %dot_general3A_117, %add3A_164 : vector<1x100xf32>
      %sub3A_166 = arith.subf %add3A_165, %dot_general3A_163 : vector<1x100xf32>
      %div3A_167 = arith.divf %dot_general3A_163, %sub3A_166 : vector<1x100xf32>
      %swap3A_168 = arith.index_cast %scan3A_154 : i32 to index
      %swap3A_169 = arith.constant 0 : index
      %swap3A_170 = vector.load %arg7[%swap3A_168, %swap3A_169] : memref<100x100xf32, #tpu.memory_space<vmem>>, vector<1x100xf32>
      tpu.vector_store %arg7[%swap3A_168, %swap3A_169], %div3A_167 {strides = array<i32>} : memref<100x100xf32, #tpu.memory_space<vmem>>, vector<1x100xf32>,
    }
    %scan3A_124 = arith.constant 100 : i32
    %get3A_125 = arith.constant 0 : index
    %get3A_126 = arith.constant 0 : index
    %get3A_127 = vector.load %arg7[%get3A_125, %get3A_126] : memref<100x100xf32, #tpu.memory_space<vmem>>, vector<100x100xf32>
    %iota3A_128 = tpu.iota {dimensions = array<i32: 0>} : vector<100x100xi32>
    %iota3A_129 = tpu.iota {dimensions = array<i32: 1>} : vector<100x100xi32>
    %lt3A_130 = arith.cmpi slt, %iota3A_128, %iota3A_129 : vector<100x100xi32>
    %convert_element_type3A_131 = arith.extui %lt3A_130 : vector<100x100xi1> to vector<100x100xi32>
    %convert_element_type3A_132 = arith.sitofp %convert_element_type3A_131 : vector<100x100xi32> to vector<100x100xf32>
    %mul3A_133 = arith.mulf %get3A_127, %convert_element_type3A_132 : vector<100x100xf32>
    %reduce_max3A = arith.constant dense<0xFF800000> : vector<100xf32>
    %reduce_max3A_134 = vector.multi_reduction <maximumf>, %mul3A_133, %reduce_max3A [0] : vector<100x100xf32> to vector<100xf32>
    %broadcast_in_dim3A_135 = vector.shape_cast %reduce_max3A_134 : vector<100xf32> to vector<1x100xf32>
    %broadcast_in_dim3A_136 = arith.constant 1.000000e+00 : f32
    %broadcast_in_dim3A_137 = vector.broadcast %broadcast_in_dim3A_136 : f32 to vector<1x100xf32>
    %mul3A_138 = vector.broadcast %slice3A_14 : vector<1x100xf32> to vector<100x100xf32>
    %mul3A_139 = arith.mulf %mul3A_133, %mul3A_138 : vector<100x100xf32>
    %dot_general3A_140 = arith.constant dense<0.000000e+00> : vector<100x1xf32>
    %dot_general3A_141 = tpu.matmul %mul3A_139, %broadcast_in_dim3A_137, %dot_general3A_140 {dimension_numbers = #tpu.dot_dimension_numbers<[1], [1], [0], [0], [0, 0, 1, 0], [], []>, precision = #tpu.contract_precision<fp32>, transpose_lhs_hint = false} : vector<100x100xf32>, vector<1x100xf32>, vector<100x1xf32> -> vector<100x1xf32>
    %mul3A_142 = arith.mulf %dot_general3A_141, %dot_general3A_11 : vector<100x1xf32>
    %swap3A_143 = arith.constant 0 : index
    %swap3A_144 = arith.constant 0 : index
    %swap3A_145 = vector.load %arg8[%swap3A_143, %swap3A_144] : memref<100x1xf32, #tpu.memory_space<vmem>>, vector<100x1xf32>
    tpu.vector_store %arg8[%swap3A_143, %swap3A_144], %mul3A_142 {strides = array<i32>} : memref<100x1xf32, #tpu.memory_space<vmem>>, vector<100x1xf32>,
    %iota3A_146 = tpu.iota {dimensions = array<i32: 1>} : vector<1x100xi32>
    %iota3A_147 = tpu.iota {dimensions = array<i32: 1>} : vector<1x8xi32>
    %scan3A_148 = arith.constant 0 : i32
    %scan3A_149 = arith.constant 50 : i32
    %scan3A_150 = arith.addi %scan3A_148, %scan3A_149 : i32
    %scan3A_151 = arith.constant 1 : i32
    %scan3A_152 = scf.for %scan3A_154 = %scan3A_148 to %scan3A_150 step %scan3A_151 iter_args(%scan3A_155 = %broadcast_in_dim3A_135) -> (vector<1x100xf32>)  : i32 {
      %reduce_min3A = vector.shape_cast %scan3A_155 : vector<1x100xf32> to vector<1x1x100xf32>
      %reduce_min3A_156 = arith.constant dense<0x7F800000> : vector<1xf32>
      %reduce_min3A_157 = vector.multi_reduction <minimumf>, %reduce_min3A, %reduce_min3A_156 [1, 2] : vector<1x1x100xf32> to vector<1xf32>
      %reduce_min3A_158 = vector.shape_cast %reduce_min3A_157 : vector<1xf32> to vector<1x1x1xf32>
      %reduce_min3A_159 = vector.extract %reduce_min3A_158[0, 0, 0] : f32 from vector<1x1x1xf32>
      %eq3A_160 = vector.broadcast %reduce_min3A_159 : f32 to vector<1x100xf32>
      %eq3A_161 = arith.cmpf oeq, %scan3A_155, %eq3A_160 : vector<1x100xf32>
      %jit3A_162 = arith.constant 1073741824 : i32
      %broadcast_in_dim3A_163 = vector.broadcast %jit3A_162 : i32 to vector<1x100xi32>
      %select_n3A_164 = arith.select %eq3A_161, %iota3A_146, %broadcast_in_dim3A_163 : vector<1x100xi1>, vector<1x100xi32>
      %reduce_min3A_165 = vector.shape_cast %select_n3A_164 : vector<1x100xi32> to vector<1x1x100xi32>
      %reduce_min3A_166 = arith.constant dense<2147483647> : vector<1xi32>
      %reduce_min3A_167 = vector.multi_reduction <minsi>, %reduce_min3A_165, %reduce_min3A_166 [1, 2] : vector<1x1x100xi32> to vector<1xi32>
      %reduce_min3A_168 = vector.shape_cast %reduce_min3A_167 : vector<1xi32> to vector<1x1x1xi32>
      %reduce_min3A_169 = vector.extract %reduce_min3A_168[0, 0, 0] : i32 from vector<1x1x1xi32>
      %get3A_170 = arith.constant 0 : index
      %get3A_171 = arith.index_cast %reduce_min3A_169 : i32 to index
      %get3A_172 = arith.constant 0 : index
      %get3A_173 = vector.load %arg1[%get3A_170, %get3A_171, %get3A_172] : memref<1x128x128xf32, #tpu.memory_space<vmem>>, vector<1x1x36xf32>
      %get3A_174 = vector.shape_cast %get3A_173 : vector<1x1x36xf32> to vector<1x36xf32>
      %swap3A_175 = arith.constant 0 : index
      %swap3A_176 = arith.index_cast %scan3A_154 : i32 to index
      %swap3A_177 = arith.constant 0 : index
      %swap3A_178 = vector.load %arg3[%swap3A_175, %swap3A_176, %swap3A_177] : memref<1x50x36xf32, #tpu.memory_space<vmem>>, vector<1x1x36xf32>
      %swap3A_179 = vector.shape_cast %swap3A_178 : vector<1x1x36xf32> to vector<1x36xf32>
      %swap3A_180 = vector.shape_cast %get3A_174 : vector<1x36xf32> to vector<1x1x36xf32>
      tpu.vector_store %arg3[%swap3A_175, %swap3A_176, %swap3A_177], %swap3A_180 {strides = array<i32>} : memref<1x50x36xf32, #tpu.memory_space<vmem>>, vector<1x1x36xf32>,
      %get3A_181 = arith.index_cast %reduce_min3A_169 : i32 to index
      %get3A_182 = arith.constant 0 : index
      %get3A_183 = vector.load %arg5[%get3A_181, %get3A_182] : memref<100x1xf32, #tpu.memory_space<vmem>>, vector<1x1xf32>
      %get3A_184 = arith.index_cast %reduce_min3A_169 : i32 to index
      %get3A_185 = arith.constant 0 : index
      %get3A_186 = vector.load %arg8[%get3A_184, %get3A_185] : memref<100x1xf32, #tpu.memory_space<vmem>>, vector<1x1xf32>
      %eq3A_187 = arith.constant 0 : i32
      %eq3A_188 = vector.broadcast %eq3A_187 : i32 to vector<1x8xi32>
      %eq3A_189 = arith.cmpi eq, %iota3A_147, %eq3A_188 : vector<1x8xi32>
      %convert_element_type3A_190 = arith.extui %eq3A_189 : vector<1x8xi1> to vector<1x8xi32>
      %convert_element_type3A_191 = arith.sitofp %convert_element_type3A_190 : vector<1x8xi32> to vector<1x8xf32>
      %mul3A_192 = vector.broadcast %get3A_183 : vector<1x1xf32> to vector<1x8xf32>
      %mul3A_193 = arith.mulf %mul3A_192, %convert_element_type3A_191 : vector<1x8xf32>
      %eq3A_194 = arith.constant 1 : i32
      %eq3A_195 = vector.broadcast %eq3A_194 : i32 to vector<1x8xi32>
      %eq3A_196 = arith.cmpi eq, %iota3A_147, %eq3A_195 : vector<1x8xi32>
      %convert_element_type3A_197 = arith.extui %eq3A_196 : vector<1x8xi1> to vector<1x8xi32>
      %convert_element_type3A_198 = arith.sitofp %convert_element_type3A_197 : vector<1x8xi32> to vector<1x8xf32>
      %mul3A_199 = vector.broadcast %get3A_186 : vector<1x1xf32> to vector<1x8xf32>
      %mul3A_200 = arith.mulf %mul3A_199, %convert_element_type3A_198 : vector<1x8xf32>
      %add3A_201 = arith.addf %mul3A_193, %mul3A_200 : vector<1x8xf32>
      %swap3A_202 = arith.constant 0 : index
      %swap3A_203 = arith.index_cast %scan3A_154 : i32 to index
      %swap3A_204 = arith.constant 0 : index
      %swap3A_205 = vector.load %arg4[%swap3A_202, %swap3A_203, %swap3A_204] : memref<1x50x8xf32, #tpu.memory_space<vmem>>, vector<1x1x8xf32>
      %swap3A_206 = vector.shape_cast %swap3A_205 : vector<1x1x8xf32> to vector<1x8xf32>
      %swap3A_207 = vector.shape_cast %add3A_201 : vector<1x8xf32> to vector<1x1x8xf32>
      tpu.vector_store %arg4[%swap3A_202, %swap3A_203, %swap3A_204], %swap3A_207 {strides = array<i32>} : memref<1x50x8xf32, #tpu.memory_space<vmem>>, vector<1x1x8xf32>,
      %eq3A_208 = vector.broadcast %reduce_min3A_169 : i32 to vector<1x100xi32>
      %eq3A_209 = arith.cmpi eq, %iota3A_146, %eq3A_208 : vector<1x100xi32>
      %jit3A_210 = arith.constant 0x7F800000 : f32
      %broadcast_in_dim3A_211 = vector.broadcast %jit3A_210 : f32 to vector<1x100xf32>
      %select_n3A_212 = arith.select %eq3A_209, %broadcast_in_dim3A_211, %scan3A_155 : vector<1x100xi1>, vector<1x100xf32>
      scf.yield %select_n3A_212 : vector<1x100xf32>
    }
    %scan3A_153 = arith.constant 50 : i32
    return
  }
  func.func @transform_0(%arg0: i32) -> (i32, i32, i32) {
    %c0_i32 = arith.constant 0 : i32
    %c0_i32_0 = arith.constant 0 : i32
    %c0_i32_1 = arith.constant 0 : i32
    return %arg0, %c0_i32, %c0_i32_0 : i32, i32, i32
  }
  func.func @transform_1(%arg0: i32) -> (i32, i32, i32) {
    %c0_i32 = arith.constant 0 : i32
    %c0_i32_0 = arith.constant 0 : i32
    %c0_i32_1 = arith.constant 0 : i32
    return %arg0, %c0_i32, %c0_i32_0 : i32, i32, i32
  }
  func.func @transform_2(%arg0: i32) -> (i32, i32, i32) {
    %c0_i32 = arith.constant 0 : i32
    %c0_i32_0 = arith.constant 0 : i32
    %c0_i32_1 = arith.constant 0 : i32
    return %arg0, %c0_i32, %c0_i32_0 : i32, i32, i32
  }
  func.func @transform_3(%arg0: i32) -> (i32, i32, i32) {
    %c0_i32 = arith.constant 0 : i32
    %c0_i32_0 = arith.constant 0 : i32
    %c0_i32_1 = arith.constant 0 : i32
    return %arg0, %c0_i32, %c0_i32_0 : i32, i32, i32
  }
}

module attributes {stable_mosaic.version = 14 : i64} {
  func.func @_k2_body(%arg0: i32, %arg1: memref<1x3x512x512xf32, #tpu.memory_space<vmem>>, %arg2: memref<1x50x36xf32, #tpu.memory_space<vmem>>, %arg3: memref<1x50x8xf32, #tpu.memory_space<vmem>>, %arg4: memref<64x512xf32, #tpu.memory_space<vmem>>, %arg5: memref<512x64xf32, #tpu.memory_space<vmem>>, %arg6: memref<12288x128xf32, #tpu.memory_space<vmem>>, %arg7: memref<128x12288xf32, #tpu.memory_space<vmem>>, %arg8: memref<1x8x128xf32, #tpu.memory_space<vmem>>) attributes {dimension_semantics = [#tpu.dimension_semantics<arbitrary>], iteration_bounds = array<i64: 2>, scalar_prefetch = 0 : i64, scratch_operands = 0 : i64, tpu.core_type = #tpu.core_type<tc>, window_params = [{transform_indices = @transform_0, window_bounds = array<i64: 1, 3, 512, 512>}, {transform_indices = @transform_1, window_bounds = array<i64: 1, 50, 36>}, {transform_indices = @transform_2, window_bounds = array<i64: 1, 50, 8>}, {pipeline_mode = #tpu.pipeline_mode<synchronous>, transform_indices = @transform_3, window_bounds = array<i64: 64, 512>}, {pipeline_mode = #tpu.pipeline_mode<synchronous>, transform_indices = @transform_4, window_bounds = array<i64: 512, 64>}, {pipeline_mode = #tpu.pipeline_mode<synchronous>, transform_indices = @transform_5, window_bounds = array<i64: 12288, 128>}, {pipeline_mode = #tpu.pipeline_mode<synchronous>, transform_indices = @transform_6, window_bounds = array<i64: 128, 12288>}, {transform_indices = @transform_7, window_bounds = array<i64: 1, 8, 128>}]} {
    %get3A = arith.constant 0 : index
    %get3A_0 = arith.constant 0 : index
    %get3A_1 = arith.constant 0 : index
    %get3A_2 = vector.load %arg2[%get3A, %get3A_0, %get3A_1] : memref<1x50x36xf32, #tpu.memory_space<vmem>>, vector<1x50x36xf32>
    %get3A_3 = vector.shape_cast %get3A_2 : vector<1x50x36xf32> to vector<50x36xf32>
    %iota3A = tpu.iota {dimensions = array<i32: 0>} : vector<4096x1xi32>
    %jit3A = arith.constant 64 : i32
    %div3A = vector.broadcast %jit3A : i32 to vector<4096x1xi32>
    %div3A_4 = arith.divsi %iota3A, %div3A : vector<4096x1xi32>
    %sign3A = arith.constant 0 : i32
    %sign3A_5 = vector.broadcast %sign3A : i32 to vector<4096x1xi32>
    %sign3A_6 = arith.cmpi sgt, %iota3A, %sign3A_5 : vector<4096x1xi32>
    %sign3A_7 = arith.extui %sign3A_6 : vector<4096x1xi1> to vector<4096x1xi32>
    %sign3A_8 = arith.constant 0 : i32
    %sign3A_9 = vector.broadcast %sign3A_8 : i32 to vector<4096x1xi32>
    %sign3A_10 = arith.cmpi slt, %iota3A, %sign3A_9 : vector<4096x1xi32>
    %sign3A_11 = arith.extui %sign3A_10 : vector<4096x1xi1> to vector<4096x1xi32>
    %sign3A_12 = arith.subi %sign3A_7, %sign3A_11 : vector<4096x1xi32>
    %sign3A_13 = arith.constant 0 : i32
    %sign3A_14 = arith.cmpi sgt, %jit3A, %sign3A_13 : i32
    %sign3A_15 = arith.extui %sign3A_14 : i1 to i32
    %sign3A_16 = arith.constant 0 : i32
    %sign3A_17 = arith.cmpi slt, %jit3A, %sign3A_16 : i32
    %sign3A_18 = arith.extui %sign3A_17 : i1 to i32
    %sign3A_19 = arith.subi %sign3A_15, %sign3A_18 : i32
    %ne3A = vector.broadcast %sign3A_19 : i32 to vector<4096x1xi32>
    %ne3A_20 = arith.cmpi ne, %sign3A_12, %ne3A : vector<4096x1xi32>
    %rem3A = vector.broadcast %jit3A : i32 to vector<4096x1xi32>
    %rem3A_21 = arith.remsi %iota3A, %rem3A : vector<4096x1xi32>
    %ne3A_22 = arith.constant 0 : i32
    %ne3A_23 = vector.broadcast %ne3A_22 : i32 to vector<4096x1xi32>
    %ne3A_24 = arith.cmpi ne, %rem3A_21, %ne3A_23 : vector<4096x1xi32>
    %and3A = arith.andi %ne3A_20, %ne3A_24 : vector<4096x1xi1>
    %sub3A = arith.constant 1 : i32
    %sub3A_25 = vector.broadcast %sub3A : i32 to vector<4096x1xi32>
    %sub3A_26 = arith.subi %div3A_4, %sub3A_25 : vector<4096x1xi32>
    %select_n3A = arith.select %and3A, %sub3A_26, %div3A_4 : vector<4096x1xi1>, vector<4096x1xi32>
    %jit3A_27 = arith.constant 64 : i32
    %eq3A = arith.constant 0 : i32
    %eq3A_28 = arith.cmpi eq, %jit3A_27, %eq3A : i32
    %jit3A_29 = arith.constant 1 : i32
    %select_n3A_30 = arith.select %eq3A_28, %jit3A_29, %jit3A_27 : i32
    %rem3A_31 = vector.broadcast %select_n3A_30 : i32 to vector<4096x1xi32>
    %rem3A_32 = arith.remsi %iota3A, %rem3A_31 : vector<4096x1xi32>
    %ne3A_33 = arith.constant 0 : i32
    %ne3A_34 = vector.broadcast %ne3A_33 : i32 to vector<4096x1xi32>
    %ne3A_35 = arith.cmpi ne, %rem3A_32, %ne3A_34 : vector<4096x1xi32>
    %lt3A = arith.constant 0 : i32
    %lt3A_36 = vector.broadcast %lt3A : i32 to vector<4096x1xi32>
    %lt3A_37 = arith.cmpi slt, %rem3A_32, %lt3A_36 : vector<4096x1xi32>
    %lt3A_38 = arith.constant 0 : i32
    %lt3A_39 = arith.cmpi slt, %select_n3A_30, %lt3A_38 : i32
    %ne3A_40 = vector.broadcast %lt3A_39 : i1 to vector<4096x1xi1>
    %ne3A_41 = vector.broadcast %ne3A_40 : vector<4096x1xi1> to vector<4096x1xi1>
    %ne3A_42 = arith.xori %lt3A_37, %ne3A_41 : vector<4096x1xi1>
    %and3A_43 = arith.andi %ne3A_42, %ne3A_35 : vector<4096x1xi1>
    %add3A = vector.broadcast %select_n3A_30 : i32 to vector<4096x1xi32>
    %add3A_44 = arith.addi %rem3A_32, %add3A : vector<4096x1xi32>
    %select_n3A_45 = arith.select %and3A_43, %add3A_44, %rem3A_32 : vector<4096x1xi1>, vector<4096x1xi32>
    %convert_element_type3A = arith.sitofp %select_n3A_45 : vector<4096x1xi32> to vector<4096x1xf32>
    %add3A_46 = arith.constant 5.000000e-01 : f32
    %add3A_47 = vector.broadcast %add3A_46 : f32 to vector<4096x1xf32>
    %add3A_48 = arith.addf %convert_element_type3A, %add3A_47 : vector<4096x1xf32>
    %div3A_49 = arith.constant 6.400000e+01 : f32
    %div3A_50 = vector.broadcast %div3A_49 : f32 to vector<4096x1xf32>
    %div3A_51 = arith.divf %add3A_48, %div3A_50 : vector<4096x1xf32>
    %convert_element_type3A_52 = arith.sitofp %select_n3A : vector<4096x1xi32> to vector<4096x1xf32>
    %add3A_53 = arith.constant 5.000000e-01 : f32
    %add3A_54 = vector.broadcast %add3A_53 : f32 to vector<4096x1xf32>
    %add3A_55 = arith.addf %convert_element_type3A_52, %add3A_54 : vector<4096x1xf32>
    %div3A_56 = arith.constant 6.400000e+01 : f32
    %div3A_57 = vector.broadcast %div3A_56 : f32 to vector<4096x1xf32>
    %div3A_58 = arith.divf %add3A_55, %div3A_57 : vector<4096x1xf32>
    %iota3A_59 = tpu.iota {dimensions = array<i32: 1>} : vector<1x36xi32>
    %eq3A_60 = arith.constant 0 : i32
    %eq3A_61 = vector.broadcast %eq3A_60 : i32 to vector<1x36xi32>
    %eq3A_62 = arith.cmpi eq, %iota3A_59, %eq3A_61 : vector<1x36xi32>
    %convert_element_type3A_63 = arith.extui %eq3A_62 : vector<1x36xi1> to vector<1x36xi32>
    %convert_element_type3A_64 = arith.sitofp %convert_element_type3A_63 : vector<1x36xi32> to vector<1x36xf32>
    %dot_general3A = arith.constant dense<0.000000e+00> : vector<1x50xf32>
    %dot_general3A_65 = tpu.matmul %convert_element_type3A_64, %get3A_3, %dot_general3A {dimension_numbers = #tpu.dot_dimension_numbers<[1], [1], [0], [0], [0, 0, 1, 0], [], []>, precision = #tpu.contract_precision<fp32>, transpose_lhs_hint = false} : vector<1x36xf32>, vector<50x36xf32>, vector<1x50xf32> -> vector<1x50xf32>
    %iota3A_66 = tpu.iota {dimensions = array<i32: 1>} : vector<1x36xi32>
    %eq3A_67 = arith.constant 1 : i32
    %eq3A_68 = vector.broadcast %eq3A_67 : i32 to vector<1x36xi32>
    %eq3A_69 = arith.cmpi eq, %iota3A_66, %eq3A_68 : vector<1x36xi32>
    %convert_element_type3A_70 = arith.extui %eq3A_69 : vector<1x36xi1> to vector<1x36xi32>
    %convert_element_type3A_71 = arith.sitofp %convert_element_type3A_70 : vector<1x36xi32> to vector<1x36xf32>
    %dot_general3A_72 = arith.constant dense<0.000000e+00> : vector<1x50xf32>
    %dot_general3A_73 = tpu.matmul %convert_element_type3A_71, %get3A_3, %dot_general3A_72 {dimension_numbers = #tpu.dot_dimension_numbers<[1], [1], [0], [0], [0, 0, 1, 0], [], []>, precision = #tpu.contract_precision<fp32>, transpose_lhs_hint = false} : vector<1x36xf32>, vector<50x36xf32>, vector<1x50xf32> -> vector<1x50xf32>
    %iota3A_74 = tpu.iota {dimensions = array<i32: 1>} : vector<1x36xi32>
    %eq3A_75 = arith.constant 2 : i32
    %eq3A_76 = vector.broadcast %eq3A_75 : i32 to vector<1x36xi32>
    %eq3A_77 = arith.cmpi eq, %iota3A_74, %eq3A_76 : vector<1x36xi32>
    %convert_element_type3A_78 = arith.extui %eq3A_77 : vector<1x36xi1> to vector<1x36xi32>
    %convert_element_type3A_79 = arith.sitofp %convert_element_type3A_78 : vector<1x36xi32> to vector<1x36xf32>
    %dot_general3A_80 = arith.constant dense<0.000000e+00> : vector<1x50xf32>
    %dot_general3A_81 = tpu.matmul %convert_element_type3A_79, %get3A_3, %dot_general3A_80 {dimension_numbers = #tpu.dot_dimension_numbers<[1], [1], [0], [0], [0, 0, 1, 0], [], []>, precision = #tpu.contract_precision<fp32>, transpose_lhs_hint = false} : vector<1x36xf32>, vector<50x36xf32>, vector<1x50xf32> -> vector<1x50xf32>
    %mul3A = arith.constant 5.000000e-01 : f32
    %mul3A_82 = vector.broadcast %mul3A : f32 to vector<1x50xf32>
    %mul3A_83 = arith.mulf %dot_general3A_81, %mul3A_82 : vector<1x50xf32>
    %add3A_84 = arith.constant 0.00999999977 : f32
    %add3A_85 = vector.broadcast %add3A_84 : f32 to vector<1x50xf32>
    %add3A_86 = arith.addf %mul3A_83, %add3A_85 : vector<1x50xf32>
    %iota3A_87 = tpu.iota {dimensions = array<i32: 1>} : vector<1x36xi32>
    %eq3A_88 = arith.constant 3 : i32
    %eq3A_89 = vector.broadcast %eq3A_88 : i32 to vector<1x36xi32>
    %eq3A_90 = arith.cmpi eq, %iota3A_87, %eq3A_89 : vector<1x36xi32>
    %convert_element_type3A_91 = arith.extui %eq3A_90 : vector<1x36xi1> to vector<1x36xi32>
    %convert_element_type3A_92 = arith.sitofp %convert_element_type3A_91 : vector<1x36xi32> to vector<1x36xf32>
    %dot_general3A_93 = arith.constant dense<0.000000e+00> : vector<1x50xf32>
    %dot_general3A_94 = tpu.matmul %convert_element_type3A_92, %get3A_3, %dot_general3A_93 {dimension_numbers = #tpu.dot_dimension_numbers<[1], [1], [0], [0], [0, 0, 1, 0], [], []>, precision = #tpu.contract_precision<fp32>, transpose_lhs_hint = false} : vector<1x36xf32>, vector<50x36xf32>, vector<1x50xf32> -> vector<1x50xf32>
    %mul3A_95 = arith.constant 5.000000e-01 : f32
    %mul3A_96 = vector.broadcast %mul3A_95 : f32 to vector<1x50xf32>
    %mul3A_97 = arith.mulf %dot_general3A_94, %mul3A_96 : vector<1x50xf32>
    %add3A_98 = arith.constant 0.00999999977 : f32
    %add3A_99 = vector.broadcast %add3A_98 : f32 to vector<1x50xf32>
    %add3A_100 = arith.addf %mul3A_97, %add3A_99 : vector<1x50xf32>
    %sub3A_101 = vector.broadcast %div3A_51 : vector<4096x1xf32> to vector<4096x50xf32>
    %sub3A_102 = vector.broadcast %dot_general3A_65 : vector<1x50xf32> to vector<4096x50xf32>
    %sub3A_103 = arith.subf %sub3A_101, %sub3A_102 : vector<4096x50xf32>
    %integer_pow3A = arith.mulf %sub3A_103, %sub3A_103 : vector<4096x50xf32>
    %mul3A_104 = arith.constant 2.000000e+00 : f32
    %mul3A_105 = vector.broadcast %mul3A_104 : f32 to vector<1x50xf32>
    %mul3A_106 = arith.mulf %mul3A_105, %add3A_86 : vector<1x50xf32>
    %mul3A_107 = arith.mulf %mul3A_106, %add3A_86 : vector<1x50xf32>
    %div3A_108 = vector.broadcast %mul3A_107 : vector<1x50xf32> to vector<4096x50xf32>
    %div3A_109 = arith.divf %integer_pow3A, %div3A_108 : vector<4096x50xf32>
    %sub3A_110 = vector.broadcast %div3A_58 : vector<4096x1xf32> to vector<4096x50xf32>
    %sub3A_111 = vector.broadcast %dot_general3A_73 : vector<1x50xf32> to vector<4096x50xf32>
    %sub3A_112 = arith.subf %sub3A_110, %sub3A_111 : vector<4096x50xf32>
    %integer_pow3A_113 = arith.mulf %sub3A_112, %sub3A_112 : vector<4096x50xf32>
    %mul3A_114 = arith.constant 2.000000e+00 : f32
    %mul3A_115 = vector.broadcast %mul3A_114 : f32 to vector<1x50xf32>
    %mul3A_116 = arith.mulf %mul3A_115, %add3A_100 : vector<1x50xf32>
    %mul3A_117 = arith.mulf %mul3A_116, %add3A_100 : vector<1x50xf32>
    %div3A_118 = vector.broadcast %mul3A_117 : vector<1x50xf32> to vector<4096x50xf32>
    %div3A_119 = arith.divf %integer_pow3A_113, %div3A_118 : vector<4096x50xf32>
    %add3A_120 = arith.addf %div3A_109, %div3A_119 : vector<4096x50xf32>
    %neg3A = arith.constant 0.000000e+00 : f32
    %neg3A_121 = vector.broadcast %neg3A : f32 to vector<4096x50xf32>
    %neg3A_122 = arith.subf %neg3A_121, %add3A_120 : vector<4096x50xf32>
    %exp3A = math.exp %neg3A_122 : vector<4096x50xf32>
    %get3A_123 = arith.constant 0 : index
    %get3A_124 = arith.constant 0 : index
    %get3A_125 = arith.constant 0 : index
    %get3A_126 = vector.load %arg3[%get3A_123, %get3A_124, %get3A_125] : memref<1x50x8xf32, #tpu.memory_space<vmem>>, vector<1x50x8xf32>
    %get3A_127 = vector.shape_cast %get3A_126 : vector<1x50x8xf32> to vector<50x8xf32>
    %iota3A_128 = tpu.iota {dimensions = array<i32: 1>} : vector<1x8xi32>
    %eq3A_129 = arith.constant 1 : i32
    %eq3A_130 = vector.broadcast %eq3A_129 : i32 to vector<1x8xi32>
    %eq3A_131 = arith.cmpi eq, %iota3A_128, %eq3A_130 : vector<1x8xi32>
    %convert_element_type3A_132 = arith.extui %eq3A_131 : vector<1x8xi1> to vector<1x8xi32>
    %convert_element_type3A_133 = arith.sitofp %convert_element_type3A_132 : vector<1x8xi32> to vector<1x8xf32>
    %dot_general3A_134 = arith.constant dense<0.000000e+00> : vector<1x50xf32>
    %dot_general3A_135 = tpu.matmul %convert_element_type3A_133, %get3A_127, %dot_general3A_134 {dimension_numbers = #tpu.dot_dimension_numbers<[1], [1], [0], [0], [0, 0, 1, 0], [], []>, precision = #tpu.contract_precision<fp32>, transpose_lhs_hint = false} : vector<1x8xf32>, vector<50x8xf32>, vector<1x50xf32> -> vector<1x50xf32>
    %iota3A_136 = tpu.iota {dimensions = array<i32: 0>} : vector<4096x64xi32>
    %jit3A_137 = arith.constant 64 : i32
    %div3A_138 = vector.broadcast %jit3A_137 : i32 to vector<4096x64xi32>
    %div3A_139 = arith.divsi %iota3A_136, %div3A_138 : vector<4096x64xi32>
    %sign3A_140 = arith.constant 0 : i32
    %sign3A_141 = vector.broadcast %sign3A_140 : i32 to vector<4096x64xi32>
    %sign3A_142 = arith.cmpi sgt, %iota3A_136, %sign3A_141 : vector<4096x64xi32>
    %sign3A_143 = arith.extui %sign3A_142 : vector<4096x64xi1> to vector<4096x64xi32>
    %sign3A_144 = arith.constant 0 : i32
    %sign3A_145 = vector.broadcast %sign3A_144 : i32 to vector<4096x64xi32>
    %sign3A_146 = arith.cmpi slt, %iota3A_136, %sign3A_145 : vector<4096x64xi32>
    %sign3A_147 = arith.extui %sign3A_146 : vector<4096x64xi1> to vector<4096x64xi32>
    %sign3A_148 = arith.subi %sign3A_143, %sign3A_147 : vector<4096x64xi32>
    %sign3A_149 = arith.constant 0 : i32
    %sign3A_150 = arith.cmpi sgt, %jit3A_137, %sign3A_149 : i32
    %sign3A_151 = arith.extui %sign3A_150 : i1 to i32
    %sign3A_152 = arith.constant 0 : i32
    %sign3A_153 = arith.cmpi slt, %jit3A_137, %sign3A_152 : i32
    %sign3A_154 = arith.extui %sign3A_153 : i1 to i32
    %sign3A_155 = arith.subi %sign3A_151, %sign3A_154 : i32
    %ne3A_156 = vector.broadcast %sign3A_155 : i32 to vector<4096x64xi32>
    %ne3A_157 = arith.cmpi ne, %sign3A_148, %ne3A_156 : vector<4096x64xi32>
    %rem3A_158 = vector.broadcast %jit3A_137 : i32 to vector<4096x64xi32>
    %rem3A_159 = arith.remsi %iota3A_136, %rem3A_158 : vector<4096x64xi32>
    %ne3A_160 = arith.constant 0 : i32
    %ne3A_161 = vector.broadcast %ne3A_160 : i32 to vector<4096x64xi32>
    %ne3A_162 = arith.cmpi ne, %rem3A_159, %ne3A_161 : vector<4096x64xi32>
    %and3A_163 = arith.andi %ne3A_157, %ne3A_162 : vector<4096x64xi1>
    %sub3A_164 = arith.constant 1 : i32
    %sub3A_165 = vector.broadcast %sub3A_164 : i32 to vector<4096x64xi32>
    %sub3A_166 = arith.subi %div3A_139, %sub3A_165 : vector<4096x64xi32>
    %select_n3A_167 = arith.select %and3A_163, %sub3A_166, %div3A_139 : vector<4096x64xi1>, vector<4096x64xi32>
    %iota3A_168 = tpu.iota {dimensions = array<i32: 1>} : vector<4096x64xi32>
    %eq3A_169 = arith.cmpi eq, %select_n3A_167, %iota3A_168 : vector<4096x64xi32>
    %convert_element_type3A_170 = arith.extui %eq3A_169 : vector<4096x64xi1> to vector<4096x64xi32>
    %convert_element_type3A_171 = arith.sitofp %convert_element_type3A_170 : vector<4096x64xi32> to vector<4096x64xf32>
    %iota3A_172 = tpu.iota {dimensions = array<i32: 0>} : vector<4096x64xi32>
    %jit3A_173 = arith.constant 64 : i32
    %eq3A_174 = arith.constant 0 : i32
    %eq3A_175 = arith.cmpi eq, %jit3A_173, %eq3A_174 : i32
    %jit3A_176 = arith.constant 1 : i32
    %select_n3A_177 = arith.select %eq3A_175, %jit3A_176, %jit3A_173 : i32
    %rem3A_178 = vector.broadcast %select_n3A_177 : i32 to vector<4096x64xi32>
    %rem3A_179 = arith.remsi %iota3A_172, %rem3A_178 : vector<4096x64xi32>
    %ne3A_180 = arith.constant 0 : i32
    %ne3A_181 = vector.broadcast %ne3A_180 : i32 to vector<4096x64xi32>
    %ne3A_182 = arith.cmpi ne, %rem3A_179, %ne3A_181 : vector<4096x64xi32>
    %lt3A_183 = arith.constant 0 : i32
    %lt3A_184 = vector.broadcast %lt3A_183 : i32 to vector<4096x64xi32>
    %lt3A_185 = arith.cmpi slt, %rem3A_179, %lt3A_184 : vector<4096x64xi32>
    %lt3A_186 = arith.constant 0 : i32
    %lt3A_187 = arith.cmpi slt, %select_n3A_177, %lt3A_186 : i32
    %ne3A_188 = vector.broadcast %lt3A_187 : i1 to vector<4096x64xi1>
    %ne3A_189 = vector.broadcast %ne3A_188 : vector<4096x64xi1> to vector<4096x64xi1>
    %ne3A_190 = arith.xori %lt3A_185, %ne3A_189 : vector<4096x64xi1>
    %and3A_191 = arith.andi %ne3A_190, %ne3A_182 : vector<4096x64xi1>
    %add3A_192 = vector.broadcast %select_n3A_177 : i32 to vector<4096x64xi32>
    %add3A_193 = arith.addi %rem3A_179, %add3A_192 : vector<4096x64xi32>
    %select_n3A_194 = arith.select %and3A_191, %add3A_193, %rem3A_179 : vector<4096x64xi1>, vector<4096x64xi32>
    %iota3A_195 = tpu.iota {dimensions = array<i32: 1>} : vector<4096x64xi32>
    %eq3A_196 = arith.cmpi eq, %select_n3A_194, %iota3A_195 : vector<4096x64xi32>
    %convert_element_type3A_197 = arith.extui %eq3A_196 : vector<4096x64xi1> to vector<4096x64xi32>
    %convert_element_type3A_198 = arith.sitofp %convert_element_type3A_197 : vector<4096x64xi32> to vector<4096x64xf32>
    %get3A_199 = arith.constant 0 : index
    %get3A_200 = arith.constant 0 : index
    %get3A_201 = vector.load %arg4[%get3A_199, %get3A_200] : memref<64x512xf32, #tpu.memory_space<vmem>>, vector<64x512xf32>
    %get3A_202 = arith.constant 0 : index
    %get3A_203 = arith.constant 0 : index
    %get3A_204 = vector.load %arg5[%get3A_202, %get3A_203] : memref<512x64xf32, #tpu.memory_space<vmem>>, vector<512x64xf32>
    %broadcast_in_dim3A = arith.constant 0.000000e+00 : f32
    %broadcast_in_dim3A_205 = vector.broadcast %broadcast_in_dim3A : f32 to vector<1x50xf32>
    %broadcast_in_dim3A_206 = arith.constant 0.000000e+00 : f32
    %broadcast_in_dim3A_207 = vector.broadcast %broadcast_in_dim3A_206 : f32 to vector<50x128xf32>
    %get3A_208 = arith.constant 0 : index
    %get3A_209 = arith.constant 0 : index
    %get3A_210 = arith.constant 0 : index
    %get3A_211 = arith.constant 0 : index
    %get3A_212 = vector.load %arg1[%get3A_208, %get3A_209, %get3A_210, %get3A_211] : memref<1x3x512x512xf32, #tpu.memory_space<vmem>>, vector<1x1x512x512xf32>
    %get3A_213 = vector.shape_cast %get3A_212 : vector<1x1x512x512xf32> to vector<512x512xf32>
    %dot_general3A_214 = arith.constant dense<0.000000e+00> : vector<64x512xf32>
    %dot_general3A_215 = tpu.matmul %get3A_201, %get3A_213, %dot_general3A_214 {dimension_numbers = #tpu.dot_dimension_numbers<[1], [0], [0], [1], [0, 0, 1, 1], [], []>, transpose_lhs_hint = false} : vector<64x512xf32>, vector<512x512xf32>, vector<64x512xf32> -> vector<64x512xf32>
    %dot_general3A_216 = arith.constant dense<0.000000e+00> : vector<64x64xf32>
    %dot_general3A_217 = tpu.matmul %dot_general3A_215, %get3A_204, %dot_general3A_216 {dimension_numbers = #tpu.dot_dimension_numbers<[1], [0], [0], [1], [0, 0, 1, 1], [], []>, transpose_lhs_hint = false} : vector<64x512xf32>, vector<512x64xf32>, vector<64x64xf32> -> vector<64x64xf32>
    %dot_general3A_218 = arith.constant dense<0.000000e+00> : vector<4096x64xf32>
    %dot_general3A_219 = tpu.matmul %convert_element_type3A_198, %dot_general3A_217, %dot_general3A_218 {dimension_numbers = #tpu.dot_dimension_numbers<[1], [1], [0], [0], [0, 0, 1, 0], [], []>, transpose_lhs_hint = false} : vector<4096x64xf32>, vector<64x64xf32>, vector<4096x64xf32> -> vector<4096x64xf32>
    %mul3A_220 = arith.mulf %convert_element_type3A_171, %dot_general3A_219 : vector<4096x64xf32>
    %reduce_sum3A = arith.constant dense<0.000000e+00> : vector<4096xf32>
    %reduce_sum3A_221 = vector.multi_reduction <add>, %mul3A_220, %reduce_sum3A [1] : vector<4096x64xf32> to vector<4096xf32>
    %broadcast_in_dim3A_222 = vector.shape_cast %reduce_sum3A_221 : vector<4096xf32> to vector<4096x1xf32>
    %mul3A_223 = vector.broadcast %broadcast_in_dim3A_222 : vector<4096x1xf32> to vector<4096x50xf32>
    %mul3A_224 = arith.mulf %exp3A, %mul3A_223 : vector<4096x50xf32>
    %get3A_225 = arith.constant 0 : index
    %get3A_226 = arith.constant 0 : index
    %get3A_227 = vector.load %arg6[%get3A_225, %get3A_226] : memref<12288x128xf32, #tpu.memory_space<vmem>>, vector<4096x128xf32>
    %dot_general3A_228 = arith.constant dense<0.000000e+00> : vector<50x128xf32>
    %dot_general3A_229 = tpu.matmul %mul3A_224, %get3A_227, %dot_general3A_228 {dimension_numbers = #tpu.dot_dimension_numbers<[0], [0], [1], [1], [0, 1, 1, 1], [], []>, transpose_lhs_hint = false} : vector<4096x50xf32>, vector<4096x128xf32>, vector<50x128xf32> -> vector<50x128xf32>
    %add3A_230 = arith.addf %broadcast_in_dim3A_207, %dot_general3A_229 : vector<50x128xf32>
    %get3A_231 = arith.constant 0 : index
    %get3A_232 = arith.constant 1 : index
    %get3A_233 = arith.constant 0 : index
    %get3A_234 = arith.constant 0 : index
    %get3A_235 = vector.load %arg1[%get3A_231, %get3A_232, %get3A_233, %get3A_234] : memref<1x3x512x512xf32, #tpu.memory_space<vmem>>, vector<1x1x512x512xf32>
    %get3A_236 = vector.shape_cast %get3A_235 : vector<1x1x512x512xf32> to vector<512x512xf32>
    %dot_general3A_237 = arith.constant dense<0.000000e+00> : vector<64x512xf32>
    %dot_general3A_238 = tpu.matmul %get3A_201, %get3A_236, %dot_general3A_237 {dimension_numbers = #tpu.dot_dimension_numbers<[1], [0], [0], [1], [0, 0, 1, 1], [], []>, transpose_lhs_hint = false} : vector<64x512xf32>, vector<512x512xf32>, vector<64x512xf32> -> vector<64x512xf32>
    %dot_general3A_239 = arith.constant dense<0.000000e+00> : vector<64x64xf32>
    %dot_general3A_240 = tpu.matmul %dot_general3A_238, %get3A_204, %dot_general3A_239 {dimension_numbers = #tpu.dot_dimension_numbers<[1], [0], [0], [1], [0, 0, 1, 1], [], []>, transpose_lhs_hint = false} : vector<64x512xf32>, vector<512x64xf32>, vector<64x64xf32> -> vector<64x64xf32>
    %dot_general3A_241 = arith.constant dense<0.000000e+00> : vector<4096x64xf32>
    %dot_general3A_242 = tpu.matmul %convert_element_type3A_198, %dot_general3A_240, %dot_general3A_241 {dimension_numbers = #tpu.dot_dimension_numbers<[1], [1], [0], [0], [0, 0, 1, 0], [], []>, transpose_lhs_hint = false} : vector<4096x64xf32>, vector<64x64xf32>, vector<4096x64xf32> -> vector<4096x64xf32>
    %mul3A_243 = arith.mulf %convert_element_type3A_171, %dot_general3A_242 : vector<4096x64xf32>
    %reduce_sum3A_244 = arith.constant dense<0.000000e+00> : vector<4096xf32>
    %reduce_sum3A_245 = vector.multi_reduction <add>, %mul3A_243, %reduce_sum3A_244 [1] : vector<4096x64xf32> to vector<4096xf32>
    %broadcast_in_dim3A_246 = vector.shape_cast %reduce_sum3A_245 : vector<4096xf32> to vector<4096x1xf32>
    %mul3A_247 = vector.broadcast %broadcast_in_dim3A_246 : vector<4096x1xf32> to vector<4096x50xf32>
    %mul3A_248 = arith.mulf %exp3A, %mul3A_247 : vector<4096x50xf32>
    %get3A_249 = arith.constant 4096 : index
    %get3A_250 = arith.constant 0 : index
    %get3A_251 = vector.load %arg6[%get3A_249, %get3A_250] : memref<12288x128xf32, #tpu.memory_space<vmem>>, vector<4096x128xf32>
    %dot_general3A_252 = arith.constant dense<0.000000e+00> : vector<50x128xf32>
    %dot_general3A_253 = tpu.matmul %mul3A_248, %get3A_251, %dot_general3A_252 {dimension_numbers = #tpu.dot_dimension_numbers<[0], [0], [1], [1], [0, 1, 1, 1], [], []>, transpose_lhs_hint = false} : vector<4096x50xf32>, vector<4096x128xf32>, vector<50x128xf32> -> vector<50x128xf32>
    %add3A_254 = arith.addf %add3A_230, %dot_general3A_253 : vector<50x128xf32>
    %get3A_255 = arith.constant 0 : index
    %get3A_256 = arith.constant 2 : index
    %get3A_257 = arith.constant 0 : index
    %get3A_258 = arith.constant 0 : index
    %get3A_259 = vector.load %arg1[%get3A_255, %get3A_256, %get3A_257, %get3A_258] : memref<1x3x512x512xf32, #tpu.memory_space<vmem>>, vector<1x1x512x512xf32>
    %get3A_260 = vector.shape_cast %get3A_259 : vector<1x1x512x512xf32> to vector<512x512xf32>
    %dot_general3A_261 = arith.constant dense<0.000000e+00> : vector<64x512xf32>
    %dot_general3A_262 = tpu.matmul %get3A_201, %get3A_260, %dot_general3A_261 {dimension_numbers = #tpu.dot_dimension_numbers<[1], [0], [0], [1], [0, 0, 1, 1], [], []>, transpose_lhs_hint = false} : vector<64x512xf32>, vector<512x512xf32>, vector<64x512xf32> -> vector<64x512xf32>
    %dot_general3A_263 = arith.constant dense<0.000000e+00> : vector<64x64xf32>
    %dot_general3A_264 = tpu.matmul %dot_general3A_262, %get3A_204, %dot_general3A_263 {dimension_numbers = #tpu.dot_dimension_numbers<[1], [0], [0], [1], [0, 0, 1, 1], [], []>, transpose_lhs_hint = false} : vector<64x512xf32>, vector<512x64xf32>, vector<64x64xf32> -> vector<64x64xf32>
    %dot_general3A_265 = arith.constant dense<0.000000e+00> : vector<4096x64xf32>
    %dot_general3A_266 = tpu.matmul %convert_element_type3A_198, %dot_general3A_264, %dot_general3A_265 {dimension_numbers = #tpu.dot_dimension_numbers<[1], [1], [0], [0], [0, 0, 1, 0], [], []>, transpose_lhs_hint = false} : vector<4096x64xf32>, vector<64x64xf32>, vector<4096x64xf32> -> vector<4096x64xf32>
    %mul3A_267 = arith.mulf %convert_element_type3A_171, %dot_general3A_266 : vector<4096x64xf32>
    %reduce_sum3A_268 = arith.constant dense<0.000000e+00> : vector<4096xf32>
    %reduce_sum3A_269 = vector.multi_reduction <add>, %mul3A_267, %reduce_sum3A_268 [1] : vector<4096x64xf32> to vector<4096xf32>
    %broadcast_in_dim3A_270 = vector.shape_cast %reduce_sum3A_269 : vector<4096xf32> to vector<4096x1xf32>
    %mul3A_271 = vector.broadcast %broadcast_in_dim3A_270 : vector<4096x1xf32> to vector<4096x50xf32>
    %mul3A_272 = arith.mulf %exp3A, %mul3A_271 : vector<4096x50xf32>
    %get3A_273 = arith.constant 8192 : index
    %get3A_274 = arith.constant 0 : index
    %get3A_275 = vector.load %arg6[%get3A_273, %get3A_274] : memref<12288x128xf32, #tpu.memory_space<vmem>>, vector<4096x128xf32>
    %dot_general3A_276 = arith.constant dense<0.000000e+00> : vector<50x128xf32>
    %dot_general3A_277 = tpu.matmul %mul3A_272, %get3A_275, %dot_general3A_276 {dimension_numbers = #tpu.dot_dimension_numbers<[0], [0], [1], [1], [0, 1, 1, 1], [], []>, transpose_lhs_hint = false} : vector<4096x50xf32>, vector<4096x128xf32>, vector<50x128xf32> -> vector<50x128xf32>
    %add3A_278 = arith.addf %add3A_254, %dot_general3A_277 : vector<50x128xf32>
    %get3A_279 = arith.constant 0 : index
    %get3A_280 = arith.constant 0 : index
    %get3A_281 = vector.load %arg7[%get3A_279, %get3A_280] : memref<128x12288xf32, #tpu.memory_space<vmem>>, vector<128x4096xf32>
    %dot_general3A_282 = arith.constant dense<0.000000e+00> : vector<4096x50xf32>
    %dot_general3A_283 = tpu.matmul %get3A_281, %add3A_278, %dot_general3A_282 {dimension_numbers = #tpu.dot_dimension_numbers<[0], [1], [1], [0], [0, 1, 1, 0], [], []>, transpose_lhs_hint = false} : vector<128x4096xf32>, vector<50x128xf32>, vector<4096x50xf32> -> vector<4096x50xf32>
    %sub3A_284 = arith.subf %dot_general3A_283, %mul3A_224 : vector<4096x50xf32>
    %mul3A_285 = arith.mulf %sub3A_284, %sub3A_284 : vector<4096x50xf32>
    %reduce_sum3A_286 = arith.constant dense<0.000000e+00> : vector<50xf32>
    %reduce_sum3A_287 = vector.multi_reduction <add>, %mul3A_285, %reduce_sum3A_286 [0] : vector<4096x50xf32> to vector<50xf32>
    %broadcast_in_dim3A_288 = vector.shape_cast %reduce_sum3A_287 : vector<50xf32> to vector<1x50xf32>
    %add3A_289 = arith.addf %broadcast_in_dim3A_205, %broadcast_in_dim3A_288 : vector<1x50xf32>
    %get3A_290 = arith.constant 0 : index
    %get3A_291 = arith.constant 4096 : index
    %get3A_292 = vector.load %arg7[%get3A_290, %get3A_291] : memref<128x12288xf32, #tpu.memory_space<vmem>>, vector<128x4096xf32>
    %dot_general3A_293 = arith.constant dense<0.000000e+00> : vector<4096x50xf32>
    %dot_general3A_294 = tpu.matmul %get3A_292, %add3A_278, %dot_general3A_293 {dimension_numbers = #tpu.dot_dimension_numbers<[0], [1], [1], [0], [0, 1, 1, 0], [], []>, transpose_lhs_hint = false} : vector<128x4096xf32>, vector<50x128xf32>, vector<4096x50xf32> -> vector<4096x50xf32>
    %sub3A_295 = arith.subf %dot_general3A_294, %mul3A_248 : vector<4096x50xf32>
    %mul3A_296 = arith.mulf %sub3A_295, %sub3A_295 : vector<4096x50xf32>
    %reduce_sum3A_297 = arith.constant dense<0.000000e+00> : vector<50xf32>
    %reduce_sum3A_298 = vector.multi_reduction <add>, %mul3A_296, %reduce_sum3A_297 [0] : vector<4096x50xf32> to vector<50xf32>
    %broadcast_in_dim3A_299 = vector.shape_cast %reduce_sum3A_298 : vector<50xf32> to vector<1x50xf32>
    %add3A_300 = arith.addf %add3A_289, %broadcast_in_dim3A_299 : vector<1x50xf32>
    %get3A_301 = arith.constant 0 : index
    %get3A_302 = arith.constant 8192 : index
    %get3A_303 = vector.load %arg7[%get3A_301, %get3A_302] : memref<128x12288xf32, #tpu.memory_space<vmem>>, vector<128x4096xf32>
    %dot_general3A_304 = arith.constant dense<0.000000e+00> : vector<4096x50xf32>
    %dot_general3A_305 = tpu.matmul %get3A_303, %add3A_278, %dot_general3A_304 {dimension_numbers = #tpu.dot_dimension_numbers<[0], [1], [1], [0], [0, 1, 1, 0], [], []>, transpose_lhs_hint = false} : vector<128x4096xf32>, vector<50x128xf32>, vector<4096x50xf32> -> vector<4096x50xf32>
    %sub3A_306 = arith.subf %dot_general3A_305, %mul3A_272 : vector<4096x50xf32>
    %mul3A_307 = arith.mulf %sub3A_306, %sub3A_306 : vector<4096x50xf32>
    %reduce_sum3A_308 = arith.constant dense<0.000000e+00> : vector<50xf32>
    %reduce_sum3A_309 = vector.multi_reduction <add>, %mul3A_307, %reduce_sum3A_308 [0] : vector<4096x50xf32> to vector<50xf32>
    %broadcast_in_dim3A_310 = vector.shape_cast %reduce_sum3A_309 : vector<50xf32> to vector<1x50xf32>
    %add3A_311 = arith.addf %add3A_300, %broadcast_in_dim3A_310 : vector<1x50xf32>
    %mul3A_312 = arith.constant 8.13802107E-5 : f32
    %mul3A_313 = vector.broadcast %mul3A_312 : f32 to vector<1x50xf32>
    %mul3A_314 = arith.mulf %add3A_311, %mul3A_313 : vector<1x50xf32>
    %mul3A_315 = arith.mulf %mul3A_314, %dot_general3A_135 : vector<1x50xf32>
    %reduce_sum3A_316 = vector.shape_cast %mul3A_315 : vector<1x50xf32> to vector<1x1x50xf32>
    %reduce_sum3A_317 = arith.constant dense<0.000000e+00> : vector<1xf32>
    %reduce_sum3A_318 = vector.multi_reduction <add>, %reduce_sum3A_316, %reduce_sum3A_317 [1, 2] : vector<1x1x50xf32> to vector<1xf32>
    %reduce_sum3A_319 = vector.shape_cast %reduce_sum3A_318 : vector<1xf32> to vector<1x1x1xf32>
    %reduce_sum3A_320 = vector.extract %reduce_sum3A_319[0, 0, 0] : f32 from vector<1x1x1xf32>
    %broadcast_in_dim3A_321 = vector.broadcast %reduce_sum3A_320 : f32 to vector<8x128xf32>
    %swap3A = arith.constant 0 : index
    %swap3A_322 = arith.constant 0 : index
    %swap3A_323 = arith.constant 0 : index
    %swap3A_324 = vector.load %arg8[%swap3A, %swap3A_322, %swap3A_323] : memref<1x8x128xf32, #tpu.memory_space<vmem>>, vector<1x8x128xf32>
    %swap3A_325 = vector.shape_cast %swap3A_324 : vector<1x8x128xf32> to vector<8x128xf32>
    %swap3A_326 = vector.shape_cast %broadcast_in_dim3A_321 : vector<8x128xf32> to vector<1x8x128xf32>
    tpu.vector_store %arg8[%swap3A, %swap3A_322, %swap3A_323], %swap3A_326 {strides = array<i32>} : memref<1x8x128xf32, #tpu.memory_space<vmem>>, vector<1x8x128xf32>,
    return
  }
  func.func @transform_0(%arg0: i32) -> (i32, i32, i32, i32) {
    %c0_i32 = arith.constant 0 : i32
    %c0_i32_0 = arith.constant 0 : i32
    %c0_i32_1 = arith.constant 0 : i32
    %c0_i32_2 = arith.constant 0 : i32
    return %arg0, %c0_i32, %c0_i32_0, %c0_i32_1 : i32, i32, i32, i32
  }
  func.func @transform_1(%arg0: i32) -> (i32, i32, i32) {
    %c0_i32 = arith.constant 0 : i32
    %c0_i32_0 = arith.constant 0 : i32
    %c0_i32_1 = arith.constant 0 : i32
    return %arg0, %c0_i32, %c0_i32_0 : i32, i32, i32
  }
  func.func @transform_2(%arg0: i32) -> (i32, i32, i32) {
    %c0_i32 = arith.constant 0 : i32
    %c0_i32_0 = arith.constant 0 : i32
    %c0_i32_1 = arith.constant 0 : i32
    return %arg0, %c0_i32, %c0_i32_0 : i32, i32, i32
  }
  func.func @transform_3(%arg0: i32) -> (i32, i32) {
    %c0_i32 = arith.constant 0 : i32
    %c0_i32_0 = arith.constant 0 : i32
    %c0_i32_1 = arith.constant 0 : i32
    return %c0_i32, %c0_i32_0 : i32, i32
  }
  func.func @transform_4(%arg0: i32) -> (i32, i32) {
    %c0_i32 = arith.constant 0 : i32
    %c0_i32_0 = arith.constant 0 : i32
    %c0_i32_1 = arith.constant 0 : i32
    return %c0_i32, %c0_i32_0 : i32, i32
  }
  func.func @transform_5(%arg0: i32) -> (i32, i32) {
    %c0_i32 = arith.constant 0 : i32
    %c0_i32_0 = arith.constant 0 : i32
    %c0_i32_1 = arith.constant 0 : i32
    return %c0_i32, %c0_i32_0 : i32, i32
  }
  func.func @transform_6(%arg0: i32) -> (i32, i32) {
    %c0_i32 = arith.constant 0 : i32
    %c0_i32_0 = arith.constant 0 : i32
    %c0_i32_1 = arith.constant 0 : i32
    return %c0_i32, %c0_i32_0 : i32, i32
  }
  func.func @transform_7(%arg0: i32) -> (i32, i32, i32) {
    %c0_i32 = arith.constant 0 : i32
    %c0_i32_0 = arith.constant 0 : i32
    %c0_i32_1 = arith.constant 0 : i32
    return %arg0, %c0_i32, %c0_i32_0 : i32, i32, i32
  }
}

module attributes {stable_mosaic.version = 14 : i64} {
  func.func @_k3_body(%arg0: i32, %arg1: i32, %arg2: memref<1x16x128x32xf32, #tpu.memory_space<vmem>>, %arg3: memref<1x50x36xf32, #tpu.memory_space<vmem>>, %arg4: memref<1x50x8xf32, #tpu.memory_space<vmem>>, %arg5: memref<512x128xf32, #tpu.memory_space<vmem>>, %arg6: memref<128x512xf32, #tpu.memory_space<vmem>>, %arg7: memref<1x512x512xf32, #tpu.memory_space<vmem>>, %arg8: memref<128x128xf32, #tpu.memory_space<vmem>>) attributes {dimension_semantics = [#tpu.dimension_semantics<arbitrary>, #tpu.dimension_semantics<arbitrary>], iteration_bounds = array<i64: 2, 8>, scalar_prefetch = 0 : i64, scratch_operands = 1 : i64, tpu.core_type = #tpu.core_type<tc>, window_params = [{transform_indices = @transform_0, window_bounds = array<i64: 1, 16, 128, 32>}, {transform_indices = @transform_1, window_bounds = array<i64: 1, 50, 36>}, {transform_indices = @transform_2, window_bounds = array<i64: 1, 50, 8>}, {pipeline_mode = #tpu.pipeline_mode<synchronous>, transform_indices = @transform_3, window_bounds = array<i64: 512, 128>}, {pipeline_mode = #tpu.pipeline_mode<synchronous>, transform_indices = @transform_4, window_bounds = array<i64: 128, 512>}, {transform_indices = @transform_5, window_bounds = array<i64: 1, 512, 512>}]} {
    %get3A = arith.constant 0 : index
    %get3A_0 = arith.constant 0 : index
    %get3A_1 = arith.constant 0 : index
    %get3A_2 = arith.constant 0 : index
    %get3A_3 = vector.load %arg2[%get3A, %get3A_0, %get3A_1, %get3A_2] : memref<1x16x128x32xf32, #tpu.memory_space<vmem>>, vector<1x16x128x32xf32>
    %get3A_4 = vector.shape_cast %get3A_3 : vector<1x16x128x32xf32> to vector<16x128x32xf32>
    %reshape3A = vector.shape_cast %get3A_4 : vector<16x128x32xf32> to vector<2048x32xf32>
    %get3A_5 = arith.constant 0 : index
    %get3A_6 = arith.constant 0 : index
    %get3A_7 = arith.constant 0 : index
    %get3A_8 = vector.load %arg3[%get3A_5, %get3A_6, %get3A_7] : memref<1x50x36xf32, #tpu.memory_space<vmem>>, vector<1x50x36xf32>
    %get3A_9 = vector.shape_cast %get3A_8 : vector<1x50x36xf32> to vector<50x36xf32>
    %slice3A = vector.extract_strided_slice %get3A_9 {offsets = [0, 0], sizes = [50, 1], strides = [1, 1]} : vector<50x36xf32> to vector<50x1xf32>
    %slice3A_10 = vector.extract_strided_slice %get3A_9 {offsets = [0, 1], sizes = [50, 1], strides = [1, 1]} : vector<50x36xf32> to vector<50x1xf32>
    %slice3A_11 = vector.extract_strided_slice %get3A_9 {offsets = [0, 2], sizes = [50, 1], strides = [1, 1]} : vector<50x36xf32> to vector<50x1xf32>
    %mul3A = arith.constant 5.000000e-01 : f32
    %mul3A_12 = vector.broadcast %mul3A : f32 to vector<50x1xf32>
    %mul3A_13 = arith.mulf %slice3A_11, %mul3A_12 : vector<50x1xf32>
    %add3A = arith.constant 0.00999999977 : f32
    %add3A_14 = vector.broadcast %add3A : f32 to vector<50x1xf32>
    %add3A_15 = arith.addf %mul3A_13, %add3A_14 : vector<50x1xf32>
    %slice3A_16 = vector.extract_strided_slice %get3A_9 {offsets = [0, 3], sizes = [50, 1], strides = [1, 1]} : vector<50x36xf32> to vector<50x1xf32>
    %mul3A_17 = arith.constant 5.000000e-01 : f32
    %mul3A_18 = vector.broadcast %mul3A_17 : f32 to vector<50x1xf32>
    %mul3A_19 = arith.mulf %slice3A_16, %mul3A_18 : vector<50x1xf32>
    %add3A_20 = arith.constant 0.00999999977 : f32
    %add3A_21 = vector.broadcast %add3A_20 : f32 to vector<50x1xf32>
    %add3A_22 = arith.addf %mul3A_19, %add3A_21 : vector<50x1xf32>
    %get3A_23 = arith.constant 0 : index
    %get3A_24 = arith.constant 0 : index
    %get3A_25 = arith.constant 0 : index
    %get3A_26 = vector.load %arg4[%get3A_23, %get3A_24, %get3A_25] : memref<1x50x8xf32, #tpu.memory_space<vmem>>, vector<1x50x8xf32>
    %get3A_27 = vector.shape_cast %get3A_26 : vector<1x50x8xf32> to vector<50x8xf32>
    %slice3A_28 = vector.extract_strided_slice %get3A_27 {offsets = [0, 0], sizes = [50, 1], strides = [1, 1]} : vector<50x8xf32> to vector<50x1xf32>
    %slice3A_29 = vector.extract_strided_slice %get3A_9 {offsets = [0, 4], sizes = [50, 32], strides = [1, 1]} : vector<50x36xf32> to vector<50x32xf32>
    %dot_general3A = arith.constant dense<0.000000e+00> : vector<50x2048xf32>
    %dot_general3A_30 = tpu.matmul %slice3A_29, %reshape3A, %dot_general3A {dimension_numbers = #tpu.dot_dimension_numbers<[1], [1], [0], [0], [0, 0, 1, 0], [], []>, transpose_lhs_hint = false} : vector<50x32xf32>, vector<2048x32xf32>, vector<50x2048xf32> -> vector<50x2048xf32>
    %logistic3A = arith.negf %dot_general3A_30 : vector<50x2048xf32>
    %logistic3A_31 = math.exp %logistic3A : vector<50x2048xf32>
    %logistic3A_32 = arith.constant 1.000000e+00 : f32
    %logistic3A_33 = vector.broadcast %logistic3A_32 : f32 to vector<50x2048xf32>
    %logistic3A_34 = arith.addf %logistic3A_33, %logistic3A_31 : vector<50x2048xf32>
    %logistic3A_35 = arith.divf %logistic3A_33, %logistic3A_34 : vector<50x2048xf32>
    %iota3A = tpu.iota {dimensions = array<i32: 1>} : vector<1x2048xi32>
    %mul3A_36 = arith.constant 2048 : i32
    %mul3A_37 = arith.muli %arg1, %mul3A_36 : i32
    %add3A_38 = vector.broadcast %mul3A_37 : i32 to vector<1x2048xi32>
    %add3A_39 = arith.addi %iota3A, %add3A_38 : vector<1x2048xi32>
    %jit3A = arith.constant 128 : i32
    %div3A = vector.broadcast %jit3A : i32 to vector<1x2048xi32>
    %div3A_40 = arith.divsi %add3A_39, %div3A : vector<1x2048xi32>
    %sign3A = arith.constant 0 : i32
    %sign3A_41 = vector.broadcast %sign3A : i32 to vector<1x2048xi32>
    %sign3A_42 = arith.cmpi sgt, %add3A_39, %sign3A_41 : vector<1x2048xi32>
    %sign3A_43 = arith.extui %sign3A_42 : vector<1x2048xi1> to vector<1x2048xi32>
    %sign3A_44 = arith.constant 0 : i32
    %sign3A_45 = vector.broadcast %sign3A_44 : i32 to vector<1x2048xi32>
    %sign3A_46 = arith.cmpi slt, %add3A_39, %sign3A_45 : vector<1x2048xi32>
    %sign3A_47 = arith.extui %sign3A_46 : vector<1x2048xi1> to vector<1x2048xi32>
    %sign3A_48 = arith.subi %sign3A_43, %sign3A_47 : vector<1x2048xi32>
    %sign3A_49 = arith.constant 0 : i32
    %sign3A_50 = arith.cmpi sgt, %jit3A, %sign3A_49 : i32
    %sign3A_51 = arith.extui %sign3A_50 : i1 to i32
    %sign3A_52 = arith.constant 0 : i32
    %sign3A_53 = arith.cmpi slt, %jit3A, %sign3A_52 : i32
    %sign3A_54 = arith.extui %sign3A_53 : i1 to i32
    %sign3A_55 = arith.subi %sign3A_51, %sign3A_54 : i32
    %ne3A = vector.broadcast %sign3A_55 : i32 to vector<1x2048xi32>
    %ne3A_56 = arith.cmpi ne, %sign3A_48, %ne3A : vector<1x2048xi32>
    %rem3A = vector.broadcast %jit3A : i32 to vector<1x2048xi32>
    %rem3A_57 = arith.remsi %add3A_39, %rem3A : vector<1x2048xi32>
    %ne3A_58 = arith.constant 0 : i32
    %ne3A_59 = vector.broadcast %ne3A_58 : i32 to vector<1x2048xi32>
    %ne3A_60 = arith.cmpi ne, %rem3A_57, %ne3A_59 : vector<1x2048xi32>
    %and3A = arith.andi %ne3A_56, %ne3A_60 : vector<1x2048xi1>
    %sub3A = arith.constant 1 : i32
    %sub3A_61 = vector.broadcast %sub3A : i32 to vector<1x2048xi32>
    %sub3A_62 = arith.subi %div3A_40, %sub3A_61 : vector<1x2048xi32>
    %select_n3A = arith.select %and3A, %sub3A_62, %div3A_40 : vector<1x2048xi1>, vector<1x2048xi32>
    %jit3A_63 = arith.constant 128 : i32
    %eq3A = arith.constant 0 : i32
    %eq3A_64 = arith.cmpi eq, %jit3A_63, %eq3A : i32
    %jit3A_65 = arith.constant 1 : i32
    %select_n3A_66 = arith.select %eq3A_64, %jit3A_65, %jit3A_63 : i32
    %rem3A_67 = vector.broadcast %select_n3A_66 : i32 to vector<1x2048xi32>
    %rem3A_68 = arith.remsi %add3A_39, %rem3A_67 : vector<1x2048xi32>
    %ne3A_69 = arith.constant 0 : i32
    %ne3A_70 = vector.broadcast %ne3A_69 : i32 to vector<1x2048xi32>
    %ne3A_71 = arith.cmpi ne, %rem3A_68, %ne3A_70 : vector<1x2048xi32>
    %lt3A = arith.constant 0 : i32
    %lt3A_72 = vector.broadcast %lt3A : i32 to vector<1x2048xi32>
    %lt3A_73 = arith.cmpi slt, %rem3A_68, %lt3A_72 : vector<1x2048xi32>
    %lt3A_74 = arith.constant 0 : i32
    %lt3A_75 = arith.cmpi slt, %select_n3A_66, %lt3A_74 : i32
    %ne3A_76 = vector.broadcast %lt3A_75 : i1 to vector<1x2048xi1>
    %ne3A_77 = vector.broadcast %ne3A_76 : vector<1x2048xi1> to vector<1x2048xi1>
    %ne3A_78 = arith.xori %lt3A_73, %ne3A_77 : vector<1x2048xi1>
    %and3A_79 = arith.andi %ne3A_78, %ne3A_71 : vector<1x2048xi1>
    %add3A_80 = vector.broadcast %select_n3A_66 : i32 to vector<1x2048xi32>
    %add3A_81 = arith.addi %rem3A_68, %add3A_80 : vector<1x2048xi32>
    %select_n3A_82 = arith.select %and3A_79, %add3A_81, %rem3A_68 : vector<1x2048xi1>, vector<1x2048xi32>
    %convert_element_type3A = arith.sitofp %select_n3A_82 : vector<1x2048xi32> to vector<1x2048xf32>
    %add3A_83 = arith.constant 5.000000e-01 : f32
    %add3A_84 = vector.broadcast %add3A_83 : f32 to vector<1x2048xf32>
    %add3A_85 = arith.addf %convert_element_type3A, %add3A_84 : vector<1x2048xf32>
    %div3A_86 = arith.constant 1.280000e+02 : f32
    %div3A_87 = vector.broadcast %div3A_86 : f32 to vector<1x2048xf32>
    %div3A_88 = arith.divf %add3A_85, %div3A_87 : vector<1x2048xf32>
    %convert_element_type3A_89 = arith.sitofp %select_n3A : vector<1x2048xi32> to vector<1x2048xf32>
    %add3A_90 = arith.constant 5.000000e-01 : f32
    %add3A_91 = vector.broadcast %add3A_90 : f32 to vector<1x2048xf32>
    %add3A_92 = arith.addf %convert_element_type3A_89, %add3A_91 : vector<1x2048xf32>
    %div3A_93 = arith.constant 1.280000e+02 : f32
    %div3A_94 = vector.broadcast %div3A_93 : f32 to vector<1x2048xf32>
    %div3A_95 = arith.divf %add3A_92, %div3A_94 : vector<1x2048xf32>
    %sub3A_96 = vector.broadcast %div3A_88 : vector<1x2048xf32> to vector<50x2048xf32>
    %sub3A_97 = vector.broadcast %slice3A : vector<50x1xf32> to vector<50x2048xf32>
    %sub3A_98 = arith.subf %sub3A_96, %sub3A_97 : vector<50x2048xf32>
    %integer_pow3A = arith.mulf %sub3A_98, %sub3A_98 : vector<50x2048xf32>
    %mul3A_99 = arith.constant 2.000000e+00 : f32
    %mul3A_100 = vector.broadcast %mul3A_99 : f32 to vector<50x1xf32>
    %mul3A_101 = arith.mulf %mul3A_100, %add3A_15 : vector<50x1xf32>
    %mul3A_102 = arith.mulf %mul3A_101, %add3A_15 : vector<50x1xf32>
    %div3A_103 = vector.broadcast %mul3A_102 : vector<50x1xf32> to vector<50x2048xf32>
    %div3A_104 = arith.divf %integer_pow3A, %div3A_103 : vector<50x2048xf32>
    %sub3A_105 = vector.broadcast %div3A_95 : vector<1x2048xf32> to vector<50x2048xf32>
    %sub3A_106 = vector.broadcast %slice3A_10 : vector<50x1xf32> to vector<50x2048xf32>
    %sub3A_107 = arith.subf %sub3A_105, %sub3A_106 : vector<50x2048xf32>
    %integer_pow3A_108 = arith.mulf %sub3A_107, %sub3A_107 : vector<50x2048xf32>
    %mul3A_109 = arith.constant 2.000000e+00 : f32
    %mul3A_110 = vector.broadcast %mul3A_109 : f32 to vector<50x1xf32>
    %mul3A_111 = arith.mulf %mul3A_110, %add3A_22 : vector<50x1xf32>
    %mul3A_112 = arith.mulf %mul3A_111, %add3A_22 : vector<50x1xf32>
    %div3A_113 = vector.broadcast %mul3A_112 : vector<50x1xf32> to vector<50x2048xf32>
    %div3A_114 = arith.divf %integer_pow3A_108, %div3A_113 : vector<50x2048xf32>
    %add3A_115 = arith.addf %div3A_104, %div3A_114 : vector<50x2048xf32>
    %neg3A = arith.constant 0.000000e+00 : f32
    %neg3A_116 = vector.broadcast %neg3A : f32 to vector<50x2048xf32>
    %neg3A_117 = arith.subf %neg3A_116, %add3A_115 : vector<50x2048xf32>
    %exp3A = math.exp %neg3A_117 : vector<50x2048xf32>
    %mul3A_118 = arith.mulf %logistic3A_35, %exp3A : vector<50x2048xf32>
    %mul3A_119 = vector.broadcast %slice3A_28 : vector<50x1xf32> to vector<50x2048xf32>
    %mul3A_120 = arith.mulf %mul3A_118, %mul3A_119 : vector<50x2048xf32>
    %reduce_sum3A = arith.constant dense<0.000000e+00> : vector<2048xf32>
    %reduce_sum3A_121 = vector.multi_reduction <add>, %mul3A_120, %reduce_sum3A [0] : vector<50x2048xf32> to vector<2048xf32>
    %broadcast_in_dim3A = vector.shape_cast %reduce_sum3A_121 : vector<2048xf32> to vector<1x2048xf32>
    %add3A_122 = arith.constant 9.99999997E-7 : f32
    %add3A_123 = vector.broadcast %add3A_122 : f32 to vector<1x2048xf32>
    %add3A_124 = arith.addf %broadcast_in_dim3A, %add3A_123 : vector<1x2048xf32>
    %mul3A_125 = arith.mulf %mul3A_120, %mul3A_120 : vector<50x2048xf32>
    %reduce_sum3A_126 = arith.constant dense<0.000000e+00> : vector<2048xf32>
    %reduce_sum3A_127 = vector.multi_reduction <add>, %mul3A_125, %reduce_sum3A_126 [0] : vector<50x2048xf32> to vector<2048xf32>
    %broadcast_in_dim3A_128 = vector.shape_cast %reduce_sum3A_127 : vector<2048xf32> to vector<1x2048xf32>
    %div3A_129 = arith.divf %broadcast_in_dim3A_128, %add3A_124 : vector<1x2048xf32>
    %sub3A_130 = arith.constant 1.000000e+00 : f32
    %sub3A_131 = vector.broadcast %sub3A_130 : f32 to vector<1x2048xf32>
    %sub3A_132 = arith.subf %sub3A_131, %div3A_129 : vector<1x2048xf32>
    %ne3A_133 = arith.cmpf one, %sub3A_132, %sub3A_132 : vector<1x2048xf32>
    %jit3A_134 = arith.constant 0.000000e+00 : f32
    %broadcast_in_dim3A_135 = vector.broadcast %jit3A_134 : f32 to vector<1x2048xf32>
    %select_n3A_136 = arith.select %ne3A_133, %broadcast_in_dim3A_135, %sub3A_132 : vector<1x2048xi1>, vector<1x2048xf32>
    %slice3A_137 = vector.extract_strided_slice %select_n3A_136 {offsets = [0, 0], sizes = [1, 128], strides = [1, 1]} : vector<1x2048xf32> to vector<1x128xf32>
    %mul3A_138 = arith.constant 16 : i32
    %mul3A_139 = arith.muli %arg1, %mul3A_138 : i32
    %add3A_140 = arith.constant 0 : i32
    %add3A_141 = arith.addi %mul3A_139, %add3A_140 : i32
    %swap3A = arith.index_cast %add3A_141 : i32 to index
    %swap3A_142 = arith.constant 0 : index
    %swap3A_143 = vector.load %arg8[%swap3A, %swap3A_142] : memref<128x128xf32, #tpu.memory_space<vmem>>, vector<1x128xf32>
    tpu.vector_store %arg8[%swap3A, %swap3A_142], %slice3A_137 {strides = array<i32>} : memref<128x128xf32, #tpu.memory_space<vmem>>, vector<1x128xf32>,
    %slice3A_144 = vector.extract_strided_slice %select_n3A_136 {offsets = [0, 128], sizes = [1, 128], strides = [1, 1]} : vector<1x2048xf32> to vector<1x128xf32>
    %mul3A_145 = arith.constant 16 : i32
    %mul3A_146 = arith.muli %arg1, %mul3A_145 : i32
    %add3A_147 = arith.constant 1 : i32
    %add3A_148 = arith.addi %mul3A_146, %add3A_147 : i32
    %swap3A_149 = arith.index_cast %add3A_148 : i32 to index
    %swap3A_150 = arith.constant 0 : index
    %swap3A_151 = vector.load %arg8[%swap3A_149, %swap3A_150] : memref<128x128xf32, #tpu.memory_space<vmem>>, vector<1x128xf32>
    tpu.vector_store %arg8[%swap3A_149, %swap3A_150], %slice3A_144 {strides = array<i32>} : memref<128x128xf32, #tpu.memory_space<vmem>>, vector<1x128xf32>,
    %slice3A_152 = vector.extract_strided_slice %select_n3A_136 {offsets = [0, 256], sizes = [1, 128], strides = [1, 1]} : vector<1x2048xf32> to vector<1x128xf32>
    %mul3A_153 = arith.constant 16 : i32
    %mul3A_154 = arith.muli %arg1, %mul3A_153 : i32
    %add3A_155 = arith.constant 2 : i32
    %add3A_156 = arith.addi %mul3A_154, %add3A_155 : i32
    %swap3A_157 = arith.index_cast %add3A_156 : i32 to index
    %swap3A_158 = arith.constant 0 : index
    %swap3A_159 = vector.load %arg8[%swap3A_157, %swap3A_158] : memref<128x128xf32, #tpu.memory_space<vmem>>, vector<1x128xf32>
    tpu.vector_store %arg8[%swap3A_157, %swap3A_158], %slice3A_152 {strides = array<i32>} : memref<128x128xf32, #tpu.memory_space<vmem>>, vector<1x128xf32>,
    %slice3A_160 = vector.extract_strided_slice %select_n3A_136 {offsets = [0, 384], sizes = [1, 128], strides = [1, 1]} : vector<1x2048xf32> to vector<1x128xf32>
    %mul3A_161 = arith.constant 16 : i32
    %mul3A_162 = arith.muli %arg1, %mul3A_161 : i32
    %add3A_163 = arith.constant 3 : i32
    %add3A_164 = arith.addi %mul3A_162, %add3A_163 : i32
    %swap3A_165 = arith.index_cast %add3A_164 : i32 to index
    %swap3A_166 = arith.constant 0 : index
    %swap3A_167 = vector.load %arg8[%swap3A_165, %swap3A_166] : memref<128x128xf32, #tpu.memory_space<vmem>>, vector<1x128xf32>
    tpu.vector_store %arg8[%swap3A_165, %swap3A_166], %slice3A_160 {strides = array<i32>} : memref<128x128xf32, #tpu.memory_space<vmem>>, vector<1x128xf32>,
    %slice3A_168 = vector.extract_strided_slice %select_n3A_136 {offsets = [0, 512], sizes = [1, 128], strides = [1, 1]} : vector<1x2048xf32> to vector<1x128xf32>
    %mul3A_169 = arith.constant 16 : i32
    %mul3A_170 = arith.muli %arg1, %mul3A_169 : i32
    %add3A_171 = arith.constant 4 : i32
    %add3A_172 = arith.addi %mul3A_170, %add3A_171 : i32
    %swap3A_173 = arith.index_cast %add3A_172 : i32 to index
    %swap3A_174 = arith.constant 0 : index
    %swap3A_175 = vector.load %arg8[%swap3A_173, %swap3A_174] : memref<128x128xf32, #tpu.memory_space<vmem>>, vector<1x128xf32>
    tpu.vector_store %arg8[%swap3A_173, %swap3A_174], %slice3A_168 {strides = array<i32>} : memref<128x128xf32, #tpu.memory_space<vmem>>, vector<1x128xf32>,
    %slice3A_176 = vector.extract_strided_slice %select_n3A_136 {offsets = [0, 640], sizes = [1, 128], strides = [1, 1]} : vector<1x2048xf32> to vector<1x128xf32>
    %mul3A_177 = arith.constant 16 : i32
    %mul3A_178 = arith.muli %arg1, %mul3A_177 : i32
    %add3A_179 = arith.constant 5 : i32
    %add3A_180 = arith.addi %mul3A_178, %add3A_179 : i32
    %swap3A_181 = arith.index_cast %add3A_180 : i32 to index
    %swap3A_182 = arith.constant 0 : index
    %swap3A_183 = vector.load %arg8[%swap3A_181, %swap3A_182] : memref<128x128xf32, #tpu.memory_space<vmem>>, vector<1x128xf32>
    tpu.vector_store %arg8[%swap3A_181, %swap3A_182], %slice3A_176 {strides = array<i32>} : memref<128x128xf32, #tpu.memory_space<vmem>>, vector<1x128xf32>,
    %slice3A_184 = vector.extract_strided_slice %select_n3A_136 {offsets = [0, 768], sizes = [1, 128], strides = [1, 1]} : vector<1x2048xf32> to vector<1x128xf32>
    %mul3A_185 = arith.constant 16 : i32
    %mul3A_186 = arith.muli %arg1, %mul3A_185 : i32
    %add3A_187 = arith.constant 6 : i32
    %add3A_188 = arith.addi %mul3A_186, %add3A_187 : i32
    %swap3A_189 = arith.index_cast %add3A_188 : i32 to index
    %swap3A_190 = arith.constant 0 : index
    %swap3A_191 = vector.load %arg8[%swap3A_189, %swap3A_190] : memref<128x128xf32, #tpu.memory_space<vmem>>, vector<1x128xf32>
    tpu.vector_store %arg8[%swap3A_189, %swap3A_190], %slice3A_184 {strides = array<i32>} : memref<128x128xf32, #tpu.memory_space<vmem>>, vector<1x128xf32>,
    %slice3A_192 = vector.extract_strided_slice %select_n3A_136 {offsets = [0, 896], sizes = [1, 128], strides = [1, 1]} : vector<1x2048xf32> to vector<1x128xf32>
    %mul3A_193 = arith.constant 16 : i32
    %mul3A_194 = arith.muli %arg1, %mul3A_193 : i32
    %add3A_195 = arith.constant 7 : i32
    %add3A_196 = arith.addi %mul3A_194, %add3A_195 : i32
    %swap3A_197 = arith.index_cast %add3A_196 : i32 to index
    %swap3A_198 = arith.constant 0 : index
    %swap3A_199 = vector.load %arg8[%swap3A_197, %swap3A_198] : memref<128x128xf32, #tpu.memory_space<vmem>>, vector<1x128xf32>
    tpu.vector_store %arg8[%swap3A_197, %swap3A_198], %slice3A_192 {strides = array<i32>} : memref<128x128xf32, #tpu.memory_space<vmem>>, vector<1x128xf32>,
    %slice3A_200 = vector.extract_strided_slice %select_n3A_136 {offsets = [0, 1024], sizes = [1, 128], strides = [1, 1]} : vector<1x2048xf32> to vector<1x128xf32>
    %mul3A_201 = arith.constant 16 : i32
    %mul3A_202 = arith.muli %arg1, %mul3A_201 : i32
    %add3A_203 = arith.constant 8 : i32
    %add3A_204 = arith.addi %mul3A_202, %add3A_203 : i32
    %swap3A_205 = arith.index_cast %add3A_204 : i32 to index
    %swap3A_206 = arith.constant 0 : index
    %swap3A_207 = vector.load %arg8[%swap3A_205, %swap3A_206] : memref<128x128xf32, #tpu.memory_space<vmem>>, vector<1x128xf32>
    tpu.vector_store %arg8[%swap3A_205, %swap3A_206], %slice3A_200 {strides = array<i32>} : memref<128x128xf32, #tpu.memory_space<vmem>>, vector<1x128xf32>,
    %slice3A_208 = vector.extract_strided_slice %select_n3A_136 {offsets = [0, 1152], sizes = [1, 128], strides = [1, 1]} : vector<1x2048xf32> to vector<1x128xf32>
    %mul3A_209 = arith.constant 16 : i32
    %mul3A_210 = arith.muli %arg1, %mul3A_209 : i32
    %add3A_211 = arith.constant 9 : i32
    %add3A_212 = arith.addi %mul3A_210, %add3A_211 : i32
    %swap3A_213 = arith.index_cast %add3A_212 : i32 to index
    %swap3A_214 = arith.constant 0 : index
    %swap3A_215 = vector.load %arg8[%swap3A_213, %swap3A_214] : memref<128x128xf32, #tpu.memory_space<vmem>>, vector<1x128xf32>
    tpu.vector_store %arg8[%swap3A_213, %swap3A_214], %slice3A_208 {strides = array<i32>} : memref<128x128xf32, #tpu.memory_space<vmem>>, vector<1x128xf32>,
    %slice3A_216 = vector.extract_strided_slice %select_n3A_136 {offsets = [0, 1280], sizes = [1, 128], strides = [1, 1]} : vector<1x2048xf32> to vector<1x128xf32>
    %mul3A_217 = arith.constant 16 : i32
    %mul3A_218 = arith.muli %arg1, %mul3A_217 : i32
    %add3A_219 = arith.constant 10 : i32
    %add3A_220 = arith.addi %mul3A_218, %add3A_219 : i32
    %swap3A_221 = arith.index_cast %add3A_220 : i32 to index
    %swap3A_222 = arith.constant 0 : index
    %swap3A_223 = vector.load %arg8[%swap3A_221, %swap3A_222] : memref<128x128xf32, #tpu.memory_space<vmem>>, vector<1x128xf32>
    tpu.vector_store %arg8[%swap3A_221, %swap3A_222], %slice3A_216 {strides = array<i32>} : memref<128x128xf32, #tpu.memory_space<vmem>>, vector<1x128xf32>,
    %slice3A_224 = vector.extract_strided_slice %select_n3A_136 {offsets = [0, 1408], sizes = [1, 128], strides = [1, 1]} : vector<1x2048xf32> to vector<1x128xf32>
    %mul3A_225 = arith.constant 16 : i32
    %mul3A_226 = arith.muli %arg1, %mul3A_225 : i32
    %add3A_227 = arith.constant 11 : i32
    %add3A_228 = arith.addi %mul3A_226, %add3A_227 : i32
    %swap3A_229 = arith.index_cast %add3A_228 : i32 to index
    %swap3A_230 = arith.constant 0 : index
    %swap3A_231 = vector.load %arg8[%swap3A_229, %swap3A_230] : memref<128x128xf32, #tpu.memory_space<vmem>>, vector<1x128xf32>
    tpu.vector_store %arg8[%swap3A_229, %swap3A_230], %slice3A_224 {strides = array<i32>} : memref<128x128xf32, #tpu.memory_space<vmem>>, vector<1x128xf32>,
    %slice3A_232 = vector.extract_strided_slice %select_n3A_136 {offsets = [0, 1536], sizes = [1, 128], strides = [1, 1]} : vector<1x2048xf32> to vector<1x128xf32>
    %mul3A_233 = arith.constant 16 : i32
    %mul3A_234 = arith.muli %arg1, %mul3A_233 : i32
    %add3A_235 = arith.constant 12 : i32
    %add3A_236 = arith.addi %mul3A_234, %add3A_235 : i32
    %swap3A_237 = arith.index_cast %add3A_236 : i32 to index
    %swap3A_238 = arith.constant 0 : index
    %swap3A_239 = vector.load %arg8[%swap3A_237, %swap3A_238] : memref<128x128xf32, #tpu.memory_space<vmem>>, vector<1x128xf32>
    tpu.vector_store %arg8[%swap3A_237, %swap3A_238], %slice3A_232 {strides = array<i32>} : memref<128x128xf32, #tpu.memory_space<vmem>>, vector<1x128xf32>,
    %slice3A_240 = vector.extract_strided_slice %select_n3A_136 {offsets = [0, 1664], sizes = [1, 128], strides = [1, 1]} : vector<1x2048xf32> to vector<1x128xf32>
    %mul3A_241 = arith.constant 16 : i32
    %mul3A_242 = arith.muli %arg1, %mul3A_241 : i32
    %add3A_243 = arith.constant 13 : i32
    %add3A_244 = arith.addi %mul3A_242, %add3A_243 : i32
    %swap3A_245 = arith.index_cast %add3A_244 : i32 to index
    %swap3A_246 = arith.constant 0 : index
    %swap3A_247 = vector.load %arg8[%swap3A_245, %swap3A_246] : memref<128x128xf32, #tpu.memory_space<vmem>>, vector<1x128xf32>
    tpu.vector_store %arg8[%swap3A_245, %swap3A_246], %slice3A_240 {strides = array<i32>} : memref<128x128xf32, #tpu.memory_space<vmem>>, vector<1x128xf32>,
    %slice3A_248 = vector.extract_strided_slice %select_n3A_136 {offsets = [0, 1792], sizes = [1, 128], strides = [1, 1]} : vector<1x2048xf32> to vector<1x128xf32>
    %mul3A_249 = arith.constant 16 : i32
    %mul3A_250 = arith.muli %arg1, %mul3A_249 : i32
    %add3A_251 = arith.constant 14 : i32
    %add3A_252 = arith.addi %mul3A_250, %add3A_251 : i32
    %swap3A_253 = arith.index_cast %add3A_252 : i32 to index
    %swap3A_254 = arith.constant 0 : index
    %swap3A_255 = vector.load %arg8[%swap3A_253, %swap3A_254] : memref<128x128xf32, #tpu.memory_space<vmem>>, vector<1x128xf32>
    tpu.vector_store %arg8[%swap3A_253, %swap3A_254], %slice3A_248 {strides = array<i32>} : memref<128x128xf32, #tpu.memory_space<vmem>>, vector<1x128xf32>,
    %slice3A_256 = vector.extract_strided_slice %select_n3A_136 {offsets = [0, 1920], sizes = [1, 128], strides = [1, 1]} : vector<1x2048xf32> to vector<1x128xf32>
    %mul3A_257 = arith.constant 16 : i32
    %mul3A_258 = arith.muli %arg1, %mul3A_257 : i32
    %add3A_259 = arith.constant 15 : i32
    %add3A_260 = arith.addi %mul3A_258, %add3A_259 : i32
    %swap3A_261 = arith.index_cast %add3A_260 : i32 to index
    %swap3A_262 = arith.constant 0 : index
    %swap3A_263 = vector.load %arg8[%swap3A_261, %swap3A_262] : memref<128x128xf32, #tpu.memory_space<vmem>>, vector<1x128xf32>
    tpu.vector_store %arg8[%swap3A_261, %swap3A_262], %slice3A_256 {strides = array<i32>} : memref<128x128xf32, #tpu.memory_space<vmem>>, vector<1x128xf32>,
    %eq3A_264 = arith.constant 7 : i32
    %eq3A_265 = arith.cmpi eq, %arg1, %eq3A_264 : i32
    %convert_element_type3A_266 = arith.extui %eq3A_265 : i1 to i32
    %cond3A = arith.constant 0 : i32
    %cond3A_267 = arith.cmpi ne, %convert_element_type3A_266, %cond3A : i32
    scf.if %cond3A_267 {
      %get3A_268 = arith.constant 0 : index
      %get3A_269 = arith.constant 0 : index
      %get3A_270 = vector.load %arg8[%get3A_268, %get3A_269] : memref<128x128xf32, #tpu.memory_space<vmem>>, vector<128x128xf32>
      %get3A_271 = arith.constant 0 : index
      %get3A_272 = arith.constant 0 : index
      %get3A_273 = vector.load %arg5[%get3A_271, %get3A_272] : memref<512x128xf32, #tpu.memory_space<vmem>>, vector<512x128xf32>
      %dot_general3A_274 = arith.constant dense<0.000000e+00> : vector<512x128xf32>
      %dot_general3A_275 = tpu.matmul %get3A_273, %get3A_270, %dot_general3A_274 {dimension_numbers = #tpu.dot_dimension_numbers<[1], [0], [0], [1], [0, 0, 1, 1], [], []>, transpose_lhs_hint = false} : vector<512x128xf32>, vector<128x128xf32>, vector<512x128xf32> -> vector<512x128xf32>
      %get3A_276 = arith.constant 0 : index
      %get3A_277 = arith.constant 0 : index
      %get3A_278 = vector.load %arg6[%get3A_276, %get3A_277] : memref<128x512xf32, #tpu.memory_space<vmem>>, vector<128x512xf32>
      %dot_general3A_279 = arith.constant dense<0.000000e+00> : vector<512x512xf32>
      %dot_general3A_280 = tpu.matmul %dot_general3A_275, %get3A_278, %dot_general3A_279 {dimension_numbers = #tpu.dot_dimension_numbers<[1], [0], [0], [1], [0, 0, 1, 1], [], []>, transpose_lhs_hint = false} : vector<512x128xf32>, vector<128x512xf32>, vector<512x512xf32> -> vector<512x512xf32>
      %swap3A_281 = arith.constant 0 : index
      %swap3A_282 = arith.constant 0 : index
      %swap3A_283 = arith.constant 0 : index
      %swap3A_284 = vector.load %arg7[%swap3A_281, %swap3A_282, %swap3A_283] : memref<1x512x512xf32, #tpu.memory_space<vmem>>, vector<1x512x512xf32>
      %swap3A_285 = vector.shape_cast %swap3A_284 : vector<1x512x512xf32> to vector<512x512xf32>
      %swap3A_286 = vector.shape_cast %dot_general3A_280 : vector<512x512xf32> to vector<1x512x512xf32>
      tpu.vector_store %arg7[%swap3A_281, %swap3A_282, %swap3A_283], %swap3A_286 {strides = array<i32>} : memref<1x512x512xf32, #tpu.memory_space<vmem>>, vector<1x512x512xf32>,
    } else {
    }
    return
  }
  func.func @transform_0(%arg0: i32, %arg1: i32) -> (i32, i32, i32, i32) {
    %c0_i32 = arith.constant 0 : i32
    %c0_i32_0 = arith.constant 0 : i32
    %c0_i32_1 = arith.constant 0 : i32
    return %arg0, %arg1, %c0_i32, %c0_i32_0 : i32, i32, i32, i32
  }
  func.func @transform_1(%arg0: i32, %arg1: i32) -> (i32, i32, i32) {
    %c0_i32 = arith.constant 0 : i32
    %c0_i32_0 = arith.constant 0 : i32
    %c0_i32_1 = arith.constant 0 : i32
    return %arg0, %c0_i32, %c0_i32_0 : i32, i32, i32
  }
  func.func @transform_2(%arg0: i32, %arg1: i32) -> (i32, i32, i32) {
    %c0_i32 = arith.constant 0 : i32
    %c0_i32_0 = arith.constant 0 : i32
    %c0_i32_1 = arith.constant 0 : i32
    return %arg0, %c0_i32, %c0_i32_0 : i32, i32, i32
  }
  func.func @transform_3(%arg0: i32, %arg1: i32) -> (i32, i32) {
    %c0_i32 = arith.constant 0 : i32
    %c0_i32_0 = arith.constant 0 : i32
    %c0_i32_1 = arith.constant 0 : i32
    return %c0_i32, %c0_i32_0 : i32, i32
  }
  func.func @transform_4(%arg0: i32, %arg1: i32) -> (i32, i32) {
    %c0_i32 = arith.constant 0 : i32
    %c0_i32_0 = arith.constant 0 : i32
    %c0_i32_1 = arith.constant 0 : i32
    return %c0_i32, %c0_i32_0 : i32, i32
  }
  func.func @transform_5(%arg0: i32, %arg1: i32) -> (i32, i32, i32) {
    %c0_i32 = arith.constant 0 : i32
    %c0_i32_0 = arith.constant 0 : i32
    %c0_i32_1 = arith.constant 0 : i32
    return %arg0, %c0_i32, %c0_i32_0 : i32, i32, i32
  }
}

module attributes {stable_mosaic.version = 14 : i64} {
  func.func @_k4_body(%arg0: memref<2x3x512x512xf32, #tpu.memory_space<vmem>>, %arg1: memref<2x512x512xf32, #tpu.memory_space<vmem>>, %arg2: memref<8x128xf32, #tpu.memory_space<vmem>>) attributes {dimension_semantics = [], scalar_prefetch = 0 : i64, scratch_operands = 0 : i64, tpu.core_type = #tpu.core_type<tc>} {
    %get3A = arith.constant 0 : index
    %get3A_0 = arith.constant 0 : index
    %get3A_1 = arith.constant 0 : index
    %get3A_2 = vector.load %arg1[%get3A, %get3A_0, %get3A_1] : memref<2x512x512xf32, #tpu.memory_space<vmem>>, vector<1x512x512xf32>
    %get3A_3 = vector.shape_cast %get3A_2 : vector<1x512x512xf32> to vector<512x512xf32>
    %get3A_4 = arith.constant 1 : index
    %get3A_5 = arith.constant 0 : index
    %get3A_6 = arith.constant 0 : index
    %get3A_7 = vector.load %arg1[%get3A_4, %get3A_5, %get3A_6] : memref<2x512x512xf32, #tpu.memory_space<vmem>>, vector<1x512x512xf32>
    %get3A_8 = vector.shape_cast %get3A_7 : vector<1x512x512xf32> to vector<512x512xf32>
    %add3A = arith.addf %get3A_3, %get3A_8 : vector<512x512xf32>
    %broadcast_in_dim3A = arith.constant 0.000000e+00 : f32
    %broadcast_in_dim3A_9 = vector.broadcast %broadcast_in_dim3A : f32 to vector<512x512xf32>
    %get3A_10 = arith.constant 0 : index
    %get3A_11 = arith.constant 0 : index
    %get3A_12 = arith.constant 0 : index
    %get3A_13 = arith.constant 0 : index
    %get3A_14 = vector.load %arg0[%get3A_10, %get3A_11, %get3A_12, %get3A_13] : memref<2x3x512x512xf32, #tpu.memory_space<vmem>>, vector<1x1x512x512xf32>
    %get3A_15 = vector.shape_cast %get3A_14 : vector<1x1x512x512xf32> to vector<512x512xf32>
    %get3A_16 = arith.constant 1 : index
    %get3A_17 = arith.constant 0 : index
    %get3A_18 = arith.constant 0 : index
    %get3A_19 = arith.constant 0 : index
    %get3A_20 = vector.load %arg0[%get3A_16, %get3A_17, %get3A_18, %get3A_19] : memref<2x3x512x512xf32, #tpu.memory_space<vmem>>, vector<1x1x512x512xf32>
    %get3A_21 = vector.shape_cast %get3A_20 : vector<1x1x512x512xf32> to vector<512x512xf32>
    %mul3A = arith.mulf %get3A_15, %get3A_3 : vector<512x512xf32>
    %mul3A_22 = arith.mulf %get3A_21, %get3A_8 : vector<512x512xf32>
    %add3A_23 = arith.addf %mul3A, %mul3A_22 : vector<512x512xf32>
    %div3A = arith.divf %add3A_23, %add3A : vector<512x512xf32>
    %sub3A = arith.subf %get3A_15, %div3A : vector<512x512xf32>
    %integer_pow3A = arith.mulf %sub3A, %sub3A : vector<512x512xf32>
    %mul3A_24 = arith.mulf %integer_pow3A, %get3A_3 : vector<512x512xf32>
    %sub3A_25 = arith.subf %get3A_21, %div3A : vector<512x512xf32>
    %integer_pow3A_26 = arith.mulf %sub3A_25, %sub3A_25 : vector<512x512xf32>
    %mul3A_27 = arith.mulf %integer_pow3A_26, %get3A_8 : vector<512x512xf32>
    %add3A_28 = arith.addf %mul3A_24, %mul3A_27 : vector<512x512xf32>
    %add3A_29 = arith.constant 9.99999997E-7 : f32
    %add3A_30 = vector.broadcast %add3A_29 : f32 to vector<512x512xf32>
    %add3A_31 = arith.addf %add3A, %add3A_30 : vector<512x512xf32>
    %div3A_32 = arith.divf %add3A_28, %add3A_31 : vector<512x512xf32>
    %add3A_33 = arith.addf %broadcast_in_dim3A_9, %div3A_32 : vector<512x512xf32>
    %get3A_34 = arith.constant 0 : index
    %get3A_35 = arith.constant 1 : index
    %get3A_36 = arith.constant 0 : index
    %get3A_37 = arith.constant 0 : index
    %get3A_38 = vector.load %arg0[%get3A_34, %get3A_35, %get3A_36, %get3A_37] : memref<2x3x512x512xf32, #tpu.memory_space<vmem>>, vector<1x1x512x512xf32>
    %get3A_39 = vector.shape_cast %get3A_38 : vector<1x1x512x512xf32> to vector<512x512xf32>
    %get3A_40 = arith.constant 1 : index
    %get3A_41 = arith.constant 1 : index
    %get3A_42 = arith.constant 0 : index
    %get3A_43 = arith.constant 0 : index
    %get3A_44 = vector.load %arg0[%get3A_40, %get3A_41, %get3A_42, %get3A_43] : memref<2x3x512x512xf32, #tpu.memory_space<vmem>>, vector<1x1x512x512xf32>
    %get3A_45 = vector.shape_cast %get3A_44 : vector<1x1x512x512xf32> to vector<512x512xf32>
    %mul3A_46 = arith.mulf %get3A_39, %get3A_3 : vector<512x512xf32>
    %mul3A_47 = arith.mulf %get3A_45, %get3A_8 : vector<512x512xf32>
    %add3A_48 = arith.addf %mul3A_46, %mul3A_47 : vector<512x512xf32>
    %div3A_49 = arith.divf %add3A_48, %add3A : vector<512x512xf32>
    %sub3A_50 = arith.subf %get3A_39, %div3A_49 : vector<512x512xf32>
    %integer_pow3A_51 = arith.mulf %sub3A_50, %sub3A_50 : vector<512x512xf32>
    %mul3A_52 = arith.mulf %integer_pow3A_51, %get3A_3 : vector<512x512xf32>
    %sub3A_53 = arith.subf %get3A_45, %div3A_49 : vector<512x512xf32>
    %integer_pow3A_54 = arith.mulf %sub3A_53, %sub3A_53 : vector<512x512xf32>
    %mul3A_55 = arith.mulf %integer_pow3A_54, %get3A_8 : vector<512x512xf32>
    %add3A_56 = arith.addf %mul3A_52, %mul3A_55 : vector<512x512xf32>
    %add3A_57 = arith.constant 9.99999997E-7 : f32
    %add3A_58 = vector.broadcast %add3A_57 : f32 to vector<512x512xf32>
    %add3A_59 = arith.addf %add3A, %add3A_58 : vector<512x512xf32>
    %div3A_60 = arith.divf %add3A_56, %add3A_59 : vector<512x512xf32>
    %add3A_61 = arith.addf %add3A_33, %div3A_60 : vector<512x512xf32>
    %get3A_62 = arith.constant 0 : index
    %get3A_63 = arith.constant 2 : index
    %get3A_64 = arith.constant 0 : index
    %get3A_65 = arith.constant 0 : index
    %get3A_66 = vector.load %arg0[%get3A_62, %get3A_63, %get3A_64, %get3A_65] : memref<2x3x512x512xf32, #tpu.memory_space<vmem>>, vector<1x1x512x512xf32>
    %get3A_67 = vector.shape_cast %get3A_66 : vector<1x1x512x512xf32> to vector<512x512xf32>
    %get3A_68 = arith.constant 1 : index
    %get3A_69 = arith.constant 2 : index
    %get3A_70 = arith.constant 0 : index
    %get3A_71 = arith.constant 0 : index
    %get3A_72 = vector.load %arg0[%get3A_68, %get3A_69, %get3A_70, %get3A_71] : memref<2x3x512x512xf32, #tpu.memory_space<vmem>>, vector<1x1x512x512xf32>
    %get3A_73 = vector.shape_cast %get3A_72 : vector<1x1x512x512xf32> to vector<512x512xf32>
    %mul3A_74 = arith.mulf %get3A_67, %get3A_3 : vector<512x512xf32>
    %mul3A_75 = arith.mulf %get3A_73, %get3A_8 : vector<512x512xf32>
    %add3A_76 = arith.addf %mul3A_74, %mul3A_75 : vector<512x512xf32>
    %div3A_77 = arith.divf %add3A_76, %add3A : vector<512x512xf32>
    %sub3A_78 = arith.subf %get3A_67, %div3A_77 : vector<512x512xf32>
    %integer_pow3A_79 = arith.mulf %sub3A_78, %sub3A_78 : vector<512x512xf32>
    %mul3A_80 = arith.mulf %integer_pow3A_79, %get3A_3 : vector<512x512xf32>
    %sub3A_81 = arith.subf %get3A_73, %div3A_77 : vector<512x512xf32>
    %integer_pow3A_82 = arith.mulf %sub3A_81, %sub3A_81 : vector<512x512xf32>
    %mul3A_83 = arith.mulf %integer_pow3A_82, %get3A_8 : vector<512x512xf32>
    %add3A_84 = arith.addf %mul3A_80, %mul3A_83 : vector<512x512xf32>
    %add3A_85 = arith.constant 9.99999997E-7 : f32
    %add3A_86 = vector.broadcast %add3A_85 : f32 to vector<512x512xf32>
    %add3A_87 = arith.addf %add3A, %add3A_86 : vector<512x512xf32>
    %div3A_88 = arith.divf %add3A_84, %add3A_87 : vector<512x512xf32>
    %add3A_89 = arith.addf %add3A_61, %div3A_88 : vector<512x512xf32>
    %reduce_sum3A = vector.shape_cast %add3A_89 : vector<512x512xf32> to vector<1x512x512xf32>
    %reduce_sum3A_90 = arith.constant dense<0.000000e+00> : vector<1xf32>
    %reduce_sum3A_91 = vector.multi_reduction <add>, %reduce_sum3A, %reduce_sum3A_90 [1, 2] : vector<1x512x512xf32> to vector<1xf32>
    %reduce_sum3A_92 = vector.shape_cast %reduce_sum3A_91 : vector<1xf32> to vector<1x1x1xf32>
    %reduce_sum3A_93 = vector.extract %reduce_sum3A_92[0, 0, 0] : f32 from vector<1x1x1xf32>
    %div3A_94 = arith.constant 1.280000e+02 : f32
    %div3A_95 = arith.divf %reduce_sum3A_93, %div3A_94 : f32
    %mul3A_96 = arith.constant 2.000000e+00 : f32
    %mul3A_97 = arith.mulf %div3A_95, %mul3A_96 : f32
    %broadcast_in_dim3A_98 = vector.broadcast %mul3A_97 : f32 to vector<8x128xf32>
    %swap3A = arith.constant 0 : index
    %swap3A_99 = arith.constant 0 : index
    %swap3A_100 = vector.load %arg2[%swap3A, %swap3A_99] : memref<8x128xf32, #tpu.memory_space<vmem>>, vector<8x128xf32>
    tpu.vector_store %arg2[%swap3A, %swap3A_99], %broadcast_in_dim3A_98 {strides = array<i32>} : memref<8x128xf32, #tpu.memory_space<vmem>>, vector<8x128xf32>,
    return
  }
}

</mosaic_0001>

<sc_bundles>
// kernel: kernel.8.cloned.1.call-start
scs
__scs_entry_jumppad:
0x0: {  	(pc) =	sbr.rel $0x88, $3  }
0x1: {  	(tag) =	ssettag $0x0;
	lr =	simm.s32 $0x1  }
0x2: {  	[smem:$0x3F9A] =	sst lr;
	_ =	strace $0xD0000000  }
0x3: {  	_ = 	snop  }
0x4: {  	_ = 	snop  }
0x5: {  	_ = 	snop  }
0x6: {  	_ = 	snop  }
0x7: {  	_ = 	snop  }
__scs_overlays_trampoline_lowered:
0x8: {  	[smem:$0x3FA9] =	sst s0  }
0x9: {  	[smem:$0x3FAA] =	sst s1  }
0xa: {  	[smem:$0x3FAB] =	sst s2  }
0xb: {  	[smem:$0x3FAC] =	sst s3  }
0xc: {  	[smem:$0x3FAD] =	sst s4  }
0xd: {  	[smem:$0x3FAE] =	sst s5  }
0xe: {  	[smem:$0x3FAF] =	sst s6  }
0xf: {  	[smem:$0x3FB0] =	sst s7  }
0x10: {  	[smem:$0x3FB1] =	sst s8  }
0x11: {  	[smem:$0x3FB2] =	sst s9;
	s0 =	simm.s32 @!p0 $0x0  }
0x12: {  	s1 =	sld [smem:$0x3F98];
	s0 =	simm.s32 @p0 $0x1  }
0x13: {  	[smem:$0x3FB3] =	sst s0;
	s0 =	simm.s32 @!p1 $0x0  }
0x14: {  	s2 =	sld [smem:$0x3F97];
	s0 =	simm.s32 @p1 $0x1  }
0x15: {  	[smem:$0x3FB4] =	sst s0;
	s0 =	simm.s32 @!p2 $0x0  }
0x16: {  	s3 =	sld [smem:$0x3FDB];
	s0 =	simm.s32 @p2 $0x1  }
0x17: {  	s4 =	simm.s32 $0x1BF5;
	[smem:$0x3FB6] =	sst s0  }
0x18: {  	s0 =	sld [smem:$0x3F99];
	_ =	swait.ge [sflag:s4], $0x0  }
0x19: {  	s7 =	sld [smem:$0x3F9A]  }
0x1a: {  	s8 =	sadd.s32 $0xFFFFE003, lr  }
0x1b: {  	s9 =	sadd.s32 $0xFFFFFEF7, lr;
	s5 =	simm.s32 $0xFFFFFFFF;
	p2 =	slt.u32 s8, $0xFFFFF086  }
0x1c: {  	p1 =	slt.u32 s9, $0xF7A;
	s5 =	simm.s32 @!p2 $0x0  }
0x1d: {  	s5 =	simm.s32 @p1 $0x1;
	p0 =	seq.s32 s7, s2  }
0x1e: {  	s7 =	smul.u32 @!p0 $0xF7A, s2;
	p2 =	seq.s32 @!p0 s5, $0x0  }
0x1f: {  	s9 =	smul.u32 $0xF7A, s1;
	s8 =	simm.s32 @!p0 $0x1BF5;
	p2 =	por !p2, p0  }
0x20: {  	[sflag:s8] =	ssyncset.s32 @!p0 $0xFFFFF086;
	s6 =	sadd.s32 @!p0 s3, s7;
	s7 =	simm.s32 @!p0 $0x108  }
0x21: {  	s3 =	sadd.s32 s3, s9;
	s6 =	sadd.s32 @!p0 $0x88, s6;
	s7 =	simm.s32 @p2 $0x1082  }
0x22: {  	[simem:s7], [sflag:s8] =	dma.local @!p0 [hbm:s6], $0xF7A  }
0x23: {  	s9 =	sor.u32 $0xD0000000, s2;
	s6 =	simm.s32 $0x108;
	_ =	swait.ge @!p0 [sflag:s8], $0x0  }
0x24: {  	s3 =	sadd.s32 $0x88, s3;
	s6 =	simm.s32 @!p1 $0x1082;
	[sflag:s4] =	ssyncset.s32 $0xFFFFF086  }
0x25: {  	[simem:s6], [sflag:s4] =	dma.local [hbm:s3], $0xF7A  }
0x26: {  	[smem:$0x3F9A] =	sst s1;
	(tag) =	ssettag s2;
	_ =	strace s9  }
0x27: {  	s1 =	sld [smem:$0x3FAA]  }
0x28: {  	s2 =	sld [smem:$0x3FAB]  }
0x29: {  	s4 =	sld [smem:$0x3FAD]  }
0x2a: {  	p0 =	seq.s32 s5, $0x0;
	s5 =	sld [smem:$0x3FAE]  }
0x2b: {  	s6 =	sld [smem:$0x3FAF]  }
0x2c: {  	s7 =	sld [smem:$0x3FB0]  }
0x2d: {  	s3 =	simm.s32 $0x108;
	s8 =	sld [smem:$0x3FB1]  }
0x2e: {  	s3 =	simm.s32 @!p0 $0x1082;
	s9 =	sld [smem:$0x3FB2]  }
0x2f: {  	lr =	sadd.s32 s0, s3;
	s0 =	sld [smem:$0x3FA9]  }
0x30: {  	s3 =	sld [smem:$0x3FAC]  }
0x31: {  	[smem:$0x3FB5] =	sst s10  }
0x32: {  	s10 =	sld [smem:$0x3FB3];
	_ =	sdelay $0x3  }
0x33: {  	p0 =	seq.s32 s10, $0x1;
	s10 =	sld [smem:$0x3FB5];
	_ =	sdelay $0x3  }
0x34: {  	[smem:$0x3FB5] =	sst s10  }
0x35: {  	s10 =	sld [smem:$0x3FB4];
	_ =	sdelay $0x3  }
0x36: {  	p1 =	seq.s32 s10, $0x1;
	s10 =	sld [smem:$0x3FB5];
	_ =	sdelay $0x3  }
0x37: {  	[smem:$0x3FB5] =	sst s10  }
0x38: {  	s10 =	sld [smem:$0x3FB6]  }
0x39: {  	_ = 	snop;
	(pc) =	sbr.ind lr, $3  }
0x3a: {  	_ = 	snop  }
0x3b: {  	_ = 	snop  }
0x3c: {  	p2 =	seq.s32 s10, $0x1;
	s10 =	sld [smem:$0x3FB5]  }
0x3d: {  	_ =	shalt  }
0x3e: {  	_ =	shalt  }
0x3f: {  	_ =	shalt  }
0x40: {  	_ =	shalt  }
0x41: {  	_ =	shalt  }
0x42: {  	_ =	shalt  }
0x43: {  	_ =	shalt  }
0x44: {  	_ =	shalt  }
0x45: {  	_ =	shalt  }
0x46: {  	_ =	shalt  }
0x47: {  	_ =	shalt  }
0x48: {  	_ =	shalt  }
0x49: {  	_ =	shalt  }
0x4a: {  	_ =	shalt  }
0x4b: {  	_ =	shalt  }
0x4c: {  	_ =	shalt  }
0x4d: {  	_ =	shalt  }
0x4e: {  	_ =	shalt  }
0x4f: {  	_ =	shalt  }
0x50: {  	_ =	shalt  }
0x51: {  	_ =	shalt  }
0x52: {  	_ =	shalt  }
0x53: {  	_ =	shalt  }
0x54: {  	_ =	shalt  }
0x55: {  	_ =	shalt  }
0x56: {  	_ =	shalt  }
0x57: {  	_ =	shalt  }
0x58: {  	_ =	shalt  }
0x59: {  	_ =	shalt  }
0x5a: {  	_ =	shalt  }
0x5b: {  	_ =	shalt  }
0x5c: {  	_ =	shalt  }
0x5d: {  	_ =	shalt  }
0x5e: {  	_ =	shalt  }
0x5f: {  	_ =	shalt  }
0x60: {  	_ =	shalt  }
0x61: {  	_ =	shalt  }
0x62: {  	_ =	shalt  }
0x63: {  	_ =	shalt  }
0x64: {  	_ =	shalt  }
0x65: {  	_ =	shalt  }
0x66: {  	_ =	shalt  }
0x67: {  	_ =	shalt  }
0x68: {  	_ =	shalt  }
0x69: {  	_ =	shalt  }
0x6a: {  	_ =	shalt  }
0x6b: {  	_ =	shalt  }
0x6c: {  	_ =	shalt  }
0x6d: {  	_ =	shalt  }
0x6e: {  	_ =	shalt  }
0x6f: {  	_ =	shalt  }
0x70: {  	_ =	shalt  }
0x71: {  	_ =	shalt  }
0x72: {  	_ =	shalt  }
0x73: {  	_ =	shalt  }
0x74: {  	_ =	shalt  }
0x75: {  	_ =	shalt  }
0x76: {  	_ =	shalt  }
0x77: {  	_ =	shalt  }
0x78: {  	_ =	shalt  }
0x79: {  	_ =	shalt  }
0x7a: {  	_ =	shalt  }
0x7b: {  	_ =	shalt  }
0x7c: {  	_ =	shalt  }
0x7d: {  	_ =	shalt  }
0x7e: {  	_ =	shalt  }
0x7f: {  	_ =	shalt  }
0x80: {  	_ =	shalt  }
0x81: {  	_ =	shalt  }
0x82: {  	_ =	shalt  }
0x83: {  	_ =	shalt  }
0x84: {  	_ =	shalt  }
0x85: {  	_ =	shalt  }
0x86: {  	_ =	shalt  }
0x87: {  	_ =	shalt  }
.Lfunc_end0:
.L_simem_size_0:
called_computation_lowered:
.L_overlay_start_0:
0x88: {  	s2 =	sld [smem:$0x3FD9]  }
0x89: {  	s3 =	sld [smem:$0x3FFE];
	_ =	sdelay $0x1  }
0x8a: {  	s1 =	srdreg.scid  }
0x8b: {  	s0 =	sand.u32 $0x1, s1  }
0x8c: {  	s14 =	sshll.u32 s0, $0xA;
	s2 =	sadd.s32 s3, s2  }
0x8d: {  	s2 =	sadd.s32 s2, s14  }
0x8e: {  	[smem:$0x3FC1] =	sst s2  }
0x8f: {  	_ = 	snop  }
0x90: {  	s2 =	sld [smem:$0x3FD0];
	_ =	sdelay $0x2  }
0x91: {  	s15 =	simm.s32 $0xA;
	s4 =	simm.s32 $0x10  }
0x92: {  	[smem:s4], [sflag:s15] =	dma.local [hbm:s2], $0x1  }
0x93: {  	_ =	swait.eq [sflag:s15], $0x1  }
0x94: {  	[sflag:s15] =	ssyncset.done $0x0  }
0x95: {  	[sflag:s15] =	ssyncadd.s32 $0xFFFFFFFF  }
0x96: {  	s16 =	sld [smem:$0x12];
	(tm) =	ssettm $0x1  }
0x97: {  	s17 =	sld [smem:$0x3FFB];
	_ =	sdelay $0x3  }
0x98: {  	_ =	strace s17  }
0x99: {  	s3 =	sld [smem:$0x3FFC];
	_ =	sdelay $0x3  }
0x9a: {  	_ =	strace s3  }
0x9b: {  	s3 =	sld [smem:$0x3FFD];
	_ =	sdelay $0x3  }
0x9c: {  	_ =	strace s3  }
0x9d: {  	_ =	strace $0x8FFFFFFF  }
0x9e: {  	s18 =	sld [smem:$0x3FDB];
	_ =	sdelay $0x1  }
0x9f: {  	s19 =	simm.s32 $_scs_section_size  }
0xa0: {  	s5 =	simm.s32 $_size__tile_overlayer_lowered;
	s6 =	simm.s32 $_tile_overlayer_lowered  }
0xa1: {  	s22 =	simm.s32 $0x1BFF;
	s21 =	sshll.u32 s6, $0x1;
	s3 =	sadd.s32 s19, s18  }
0xa2: {  	s7 =	simm.s32 $0x0;
	s20 =	sshll.u32 s5, $0x1;
	s5 =	sadd.s32 s21, s3  }
0xa3: {  	[timem:s7], [sflag:s22] =	dma.local [hbm:s5], s20  }
0xa4: {  	_ =	swait.ge [sflag:s22], s20  }
0xa5: {  	s4 =	ssub.s32 $0x0, s20;
	[sflag:s22] =	ssyncset.done $0x0  }
0xa6: {  	[sflag:s22] =	ssyncadd.s32 s4;
	_ =	sdelay $0x1  }
0xa7: {  	s23 =	simm.s32 $0x1B8B  }
0xa8: {  	_ =	swait.ge [sflag:s23], $0x1  }
0xa9: {  	[sflag:s23] =	ssyncset.done $0x0  }
0xaa: {  	s25 =	simm.s32 $0x1B8E;
	s24 =	sld [smem:$0x3FFE];
	[sflag:s23] =	ssyncadd.s32 $0xFFFFFFFF  }
0xab: {  	s26 =	simm.s32 $execute0_lowered;
	[smem:$0x3FD2] =	sst s25  }
0xac: {  	s5 =	sshll.u32 s26, $0x1;
	_ =	strace $0x80000046;
	[dreg:$0x1] =	wrdreg $0xFFFFFFFF  }
0xad: {  	s28 =	simm.s32 $_size_execute0_lowered;
	s3 =	sadd.s32 s3, s5;
	[dreg:$0x0] =	wrdreg $0x0  }
0xae: {  	s5 =	sshll.u32 s28, $0x1;
	[dreg:$0x2] =	wrdreg s3  }
0xaf: {  	[dreg:$0x3] =	wrdreg s5  }
0xb0: {  	[dreg:$0x4] =	wrdreg $0xC0  }
0xb1: {  	_ =	task [dreg:s7], $0x5FFFF  }
0xb2: {  	[dreg:$0x1] =	wrdreg $0xFFFFFFFF  }
0xb3: {  	[dreg:$0x0] =	wrdreg $0x60  }
0xb4: {  	[dreg:$0x2] =	wrdreg s16  }
0xb5: {  	[dreg:$0x3] =	wrdreg s24  }
0xb6: {  	[dreg:$0x4] =	wrdreg $0x9  }
0xb7: {  	_ =	task.clear_ibuf [dreg:s7], $0x5FFFF;
	_ =	strace $0x90000046  }
0xb8: {  	s29 =	simm.s32 $0x9;
	_ =	strace $0x80000048  }
0xb9: {  	_ =	swait.ge [sflag:s29], $0x1  }
0xba: {  	[sflag:s29] =	ssyncadd.s32 $0xFFFFFFFF  }
0xbb: {  	_ =	strace $0x90000048  }
0xbc: {  	_ =	sfence  }
0xbd: {  	s30 =	sld [smem:$0x0];
	_ =	sdelay $0x2  }
0xbe: {  	s31 =	sshll.u32 s1, $0xD;
	s1 =	sshrl.u32 s1, $0x2  }
0xbf: {  	s3 =	sand.u32 $0x4000, s31;
	s1 =	sadd.s32 s1, s30  }
0xc0: {  	s0 =	sor.u32 s3, s0;
	s1 =	sshll.u32 s1, $0x11  }
0xc1: {  	s0 =	sor.u32 s1, s0  }
0xc2: {  	s0 =	sadd.s32 $0x8F2B, s0  }
0xc3: {  	[sflag:s0] =	ssyncadd.remote.s32 $0x1  }
0xc4: {  	_ =	sfence.sel $0xFFFF  }
0xc5: {  	[dreg:$0x0] =	wrdreg $0xFFFFFFFF;
	(pc) =	sbr.abs _section_cstart, $3  }
0xc6: {  	[dreg:$0x1] =	wrdreg $0xFFFFFFFF  }
0xc7: {  	_ =	task.clear_ibuf [dreg:s7], $0x2FFFF;
	_ =	strace $0x9FFFFFFF  }
0xc8: {  	(tm) =	ssettm $0x7FFFFFFF  }
0xc9: {  	_ =	shalt  }
tec
execute0_lowered:
.L_overlay_start_1:
0x0: {  	(tag) =	ssettag $0x1  }
0x1: {  	s1 =	rddreg [dreg:$0x0]  }
0x2: {  	s7 =	rddreg [dreg:$0x1]  }
0x3: {  	s0 =	rddreg [dreg:$0x2];
	s2 =	simm.s32 $0x0  }
0x4: {  	s3 =	srdreg.scid;
	s10 =	simm.s32 $0x80;
	s11 =	simm.s32 $0x1  }
0x5: {  	[smem:$0x7FF] =	sst s2;
	s6 =	sand.u32 $0x1, s3;
	s4 =	sadd.s32 $0x13B200, s7  }
.Ltmp0:
0x6: {  	s3 =	stileid.u32;
	s5 =	sadd.s32 $0x2A00, s7;
	(pc) =	sbr.rel .LBB2_1-.Ltmp0, $4  }
0x7: {  	s7 =	sadd.s32 $0x3200, s7;
	s8 =	ssub.s32 $0x2, s6;
	s31 =	sshll.u32 s3, $0x1  }
0x8: {  	_ =	strace $0x80000047;
	s9 =	sshrl.u32 s8, $0x1;
	s12 =	sor.u32 s6, s31  }
0x9: {  	s6 =	sadd.s32 $0x10, s1;
	s8 =	ssub.s32 s8, s9;
	p0 =	seq.s32 s12, $0x1  }
0xa: {  	s9 =	simm.s32 $0x2;
	p1 =	sne.s32 s12, $0x0;
	s8 =	smax.u32 s8, $0x1  }
.LBB2_4:
0xb: {  	[tilespmem:s2], [sflag:$0x2] =	stream.linear.gather [hbm4b:s6+s2], $0x80, $0x38;
	[tilespmem:$0x4080] =	vst v63  }
0xc: {  	_ =	swait.ge [sflag:s9], $0x80  }
0xd: {  	[sflag:s9] =	ssyncset.done $0x0  }
0xe: {  	[sflag:s9] =	ssyncadd.s32 $0xFFFFFF80  }
0xf: {  	v0 =	vld [tilespmem:$0x0]  }
0x10: {  	v1 =	vld [tilespmem:$0x10]  }
0x11: {  	v2 =	vld [tilespmem:$0x20]  }
0x12: {  	v3 =	vld [tilespmem:$0x30]  }
0x13: {  	v4 =	vld [tilespmem:$0x40]  }
0x14: {  	v5 =	vld [tilespmem:$0x50];
	v0 =	vadd.s32 $0x4E20, v0  }
0x15: {  	v56 =	vld [tilespmem:$0x60];
	v55 =	vadd.s32 $0x4E20, v1;
	[tilespmem:$0x0] =	vst v0  }
0x16: {  	v58 =	vld [tilespmem:$0x70];
	v57 =	vadd.s32 $0x4E20, v2;
	[tilespmem:$0x10] =	vst v55  }
0x17: {  	v59 =	vadd.s32 $0x4E20, v3;
	[tilespmem:$0x20] =	vst v57  }
0x18: {  	v60 =	vadd.s32 $0x4E20, v4;
	[tilespmem:$0x30] =	vst v59  }
0x19: {  	v61 =	vadd.s32 $0x4E20, v5;
	[tilespmem:$0x40] =	vst v60  }
0x1a: {  	v62 =	vadd.s32 $0x4E20, v56;
	[tilespmem:$0x50] =	vst v61  }
0x1b: {  	v63 =	vadd.s32 $0x4E20, v58;
	[tilespmem:$0x60] =	vst v62  }
0x1c: {  	[tilespmem:$0x70] =	vst v63  }
0x1d: {  	[tilespmem:s10], [sflag:$0x1] =	stream.indirect.gather [hbm4b:s4+s10], $0x80, s2, s10, $0xb8;
	[tilespmem:$0x4080] =	vst v63  }
0x1e: {  	_ =	swait.ge [sflag:s11], $0x4000  }
0x1f: {  	[sflag:s11] =	ssyncset.done $0x0  }
0x20: {  	[sflag:s11] =	ssyncadd.s32 $0xFFFFC000  }
0x21: {  	[hbm4b:s7+s2] =	stream.linear.scatter [tilespmem:s10], [sflag:$0x2], $0x4000, $0x38;
	[tilespmem:$0x4080] =	vst v63  }
.LBB2_5:
0x22: {  	_ =	swait.ge [sflag:s9], $0x4000  }
0x23: {  	[sflag:s9] =	ssyncset.done $0x0  }
0x24: {  	[sflag:s9] =	ssyncadd.s32 $0xFFFFC000  }
.LBB2_6:
0x25: {  	s8 =	sadd.s32 $0xFFFFFFFF, s8  }
0x26: {  	p2 =	sne.s32 s8, $0x0  }
.Ltmp1:
0x27: {  	_ = 	snop;
	(pc) =	sbr.rel @!p2 .LBB2_7-.Ltmp1, $1  }
0x28: {  	_ =	sdelay $0x3  }
.LBB2_1:
.Ltmp2:
0x29: {  	(pc) =	sbr.rel @p0 .LBB2_4-.Ltmp2, $1  }
0x2a: {  	_ =	sdelay $0x3  }
.Ltmp3:
0x2b: {  	(pc) =	sbr.rel @p1 .LBB2_6-.Ltmp3, $1  }
0x2c: {  	_ =	sdelay $0x3  }
0x2d: {  	[tilespmem:s2], [sflag:$0x2] =	stream.linear.gather [hbm4b:s1+s2], $0x80, $0x38;
	[tilespmem:$0x4080] =	vst v63  }
0x2e: {  	_ =	swait.ge [sflag:s9], $0x80  }
0x2f: {  	[sflag:s9] =	ssyncset.done $0x0  }
0x30: {  	[sflag:s9] =	ssyncadd.s32 $0xFFFFFF80  }
0x31: {  	[tilespmem:s10], [sflag:$0x1] =	stream.indirect.gather [hbm4b:s4+s10], $0x80, s2, s10, $0xb8;
	[tilespmem:$0x4080] =	vst v63  }
.Ltmp4:
0x32: {  	_ = 	snop;
	(pc) =	sbr.rel .LBB2_5-.Ltmp4, $4  }
0x33: {  	_ =	swait.ge [sflag:s11], $0x4000  }
0x34: {  	[sflag:s11] =	ssyncset.done $0x0  }
0x35: {  	[sflag:s11] =	ssyncadd.s32 $0xFFFFC000  }
0x36: {  	[hbm4b:s5+s2] =	stream.linear.scatter [tilespmem:s10], [sflag:$0x2], $0x4000, $0x38;
	[tilespmem:$0x4080] =	vst v63  }
.LBB2_7:
0x37: {  	_ =	sfence.sel $0x180000  }
0x38: {  	[bflag:$0x0] =	sbarrier.arrive $0xFFFF  }
0x39: {  	p0 =	sne.s32 s3, $0x0;
	_ =	strace $0x90000047  }
0x3a: {  	s0 =	sadd.s32 @!p0 $0x100000, s0;
	[bflag:$0x2] =	sbarrier.arrive $0xFFFF  }
0x3b: {  	[sflag:s0] =	ssyncadd.tile.s32 @!p0 $0x1;
	_ =	shalt  }
.Lfunc_end2:
_tile_overlayer_lowered:
.L_overlay_start_2:
0x3c: {  	(tag) =	ssettag $0x2  }
0x3d: {  	s0 =	rddreg [dreg:$0x0];
	s2 =	stileid.u32  }
0x3e: {  	s1 =	rddreg [dreg:$0x1];
	p0 =	sne.s32 s2, $0x0  }
0x3f: {  	s3 =	rddreg [dreg:$0x2];
	[bflag:$0x3] =	sbarrier.arrive $0xFFFF;
	s2 =	simm.s32 @!p0 $0x1C02  }
0x40: {  	[timem:s3], [sflag:s2] =	dma.local @!p0 [hbm:s0], s1  }
0x41: {  	s0 =	simm.s32 @!p0 $0x2  }
0x42: {  	_ =	swait.ge @!p0 [sflag:s0], s1  }
0x43: {  	s1 =	ssub.s32 @!p0 $0x0, s1;
	[sflag:s0] =	ssyncset.done @!p0 $0x0  }
0x44: {  	[sflag:s0] =	ssyncadd.s32 @!p0 s1  }
0x45: {  	[bflag:$0x3] =	sbarrier.arrive $0xFFFF  }
0x46: {  	_ =	shalt  }

</sc_bundles>
